<compile_context>
chip_gen: v7x
topology: tpu7x:2x2x1
jax: 0.10.2.dev20260603
libtpu: 0.0.44.dev20260713+nightly
codegen_flags: <defaults>
</compile_context>

<pallas_src>
import functools

import jax
import jax.numpy as jnp
from jax import lax
from jax.experimental import pallas as pl
from jax.experimental.pallas import tpu as pltpu
from jax.experimental.pallas import tpu_sc as plsc

_BATCH = 4096
_PIXELS = 12288


def _sc_gather(idx, a_flat, b_flat):
    info = plsc.get_sparse_core_info()
    nw = info.num_cores * info.num_subcores
    b_per_w = _BATCH // nw

    mesh = plsc.VectorSubcoreMesh(core_axis_name="c", subcore_axis_name="s")

    @functools.partial(
        pl.kernel,
        out_type=(
            jax.ShapeDtypeStruct((_BATCH,), jnp.float32),
            jax.ShapeDtypeStruct((_BATCH,), jnp.float32),
        ),
        mesh=mesh,
        scratch_types=[
            pltpu.VMEM((b_per_w,), jnp.int32),
            pltpu.VMEM((b_per_w,), jnp.float32),
            pltpu.VMEM((b_per_w,), jnp.float32),
            pltpu.SemaphoreType.DMA,
            pltpu.SemaphoreType.DMA,
        ],
        compiler_params=pltpu.CompilerParams(disable_bounds_checks=True),
    )
    def sc_kernel(idx_hbm, a_hbm, b_hbm, scale_hbm, off_hbm,
                  idx_v, a_v, b_v, sem_a, sem_b):
        wid = lax.axis_index("s") * info.num_cores + lax.axis_index("c")
        base = wid * b_per_w
        pltpu.sync_copy(idx_hbm.at[pl.ds(base, b_per_w)], idx_v)
        cp_a = pltpu.async_copy(a_hbm.at[idx_v], a_v, sem_a)
        cp_b = pltpu.async_copy(b_hbm.at[idx_v], b_v, sem_b)
        cp_a.wait()
        cp_b.wait()
        for i in range(b_per_w // 16):
            sl = pl.ds(i * 16, 16)
            a_v[sl] = jnp.exp(a_v[sl])
        pltpu.sync_copy(a_v, scale_hbm.at[pl.ds(base, b_per_w)])
        pltpu.sync_copy(b_v, off_hbm.at[pl.ds(base, b_per_w)])

    return sc_kernel(idx, a_flat, b_flat)


_CH = 128
_NBI = 5
_NBO = 3
_NCH = _BATCH // _CH


def _tc_apply(scale, offset, image):
    def body(s_ref, o_ref, img_hbm, out_hbm, in_buf, out_buf, in_sem, out_sem):
        _H = _CH // 2

        def _in_half(i, slot, h):
            return pltpu.make_async_copy(
                img_hbm.at[pl.ds(i * _CH + h * _H, _H)],
                in_buf.at[slot, pl.ds(h * _H, _H)], in_sem.at[slot])

        def _out_half(i, slot, h):
            return pltpu.make_async_copy(
                out_buf.at[slot, pl.ds(h * _H, _H)],
                out_hbm.at[pl.ds(i * _CH + h * _H, _H)], out_sem.at[slot])

        class _Pair:
            def __init__(self, mk, i, slot):
                self.c = [mk(i, slot, 0), mk(i, slot, 1)]

            def start(self):
                self.c[0].start()
                self.c[1].start()

            def wait(self):
                self.c[0].wait()
                self.c[1].wait()

        def in_copy(i, slot):
            return _Pair(_in_half, i, slot)

        def out_copy(i, slot):
            return _Pair(_out_half, i, slot)

        for k in range(_NBI - 1):
            in_copy(k, k).start()

        def step(i, _):
            islot = lax.rem(i, _NBI)
            oslot = lax.rem(i, _NBO)
            nxt = i + _NBI - 1

            @pl.when(nxt < _NCH)
            def _():
                in_copy(nxt, lax.rem(nxt, _NBI)).start()

            in_copy(i, islot).wait()

            @pl.when(i >= _NBO)
            def _():
                out_copy(i - _NBO, oslot).wait()

            s = s_ref[pl.ds(pl.multiple_of(i * _CH, _CH), _CH)].reshape(_CH, 1)
            o = o_ref[pl.ds(pl.multiple_of(i * _CH, _CH), _CH)].reshape(_CH, 1)
            out_buf[oslot] = jnp.clip(s * in_buf[islot] + o, 0.0, 1.0)
            out_copy(i, oslot).start()
            return 0

        lax.fori_loop(0, _NCH, step, 0)
        for k in range(_NBO):
            i = _NCH - _NBO + k
            out_copy(i, i % _NBO).wait()

    return pl.pallas_call(
        body,
        in_specs=[
            pl.BlockSpec(memory_space=pltpu.VMEM),
            pl.BlockSpec(memory_space=pltpu.VMEM),
            pl.BlockSpec(memory_space=pl.ANY),
        ],
        out_specs=pl.BlockSpec(memory_space=pl.ANY),
        out_shape=jax.ShapeDtypeStruct((_BATCH, _PIXELS), jnp.float32),
        scratch_shapes=[
            pltpu.VMEM((_NBI, _CH, _PIXELS), jnp.float32),
            pltpu.VMEM((_NBO, _CH, _PIXELS), jnp.float32),
            pltpu.SemaphoreType.DMA((_NBI,)),
            pltpu.SemaphoreType.DMA((_NBO,)),
        ],
        compiler_params=pltpu.CompilerParams(
            vmem_limit_bytes=62 * 1024 * 1024),
    )(scale, offset, image)


def kernel(idx, image, exposure_a, exposure_b):
    scale, offset = _sc_gather(idx, exposure_a.reshape(-1),
                               exposure_b.reshape(-1))
    return _tc_apply(scale, offset, image)

# --- scband reference (transcript-rebuilt; emitter-appended) ---
"""Pipeline reference for scband-exposure-model-67577015435758 (READ-ONLY COPY).

The authoritative reference and input builder live on the scoring server;
editing this copy changes nothing except your own understanding.
"""

import jax, jax.numpy as jnp
import numpy as np

NUM_CAMERA = 100000
BATCH = 4096
PIXELS = 12288


def setup_inputs(seed: int = 0) -> dict:
    key = jax.random.key(seed)
    k1, k2, k3, k4 = jax.random.split(key, 4)
    idx = jax.random.randint(k1, (BATCH,), 0, NUM_CAMERA, dtype=jnp.int64 if jax.config.jax_enable_x64 else jnp.int32).astype(jnp.int32)
    image = jax.random.uniform(k2, (BATCH, PIXELS), dtype=jnp.float32)
    # learned parameters (torch inits to zeros; use small random so the op is non-trivial)
    exposure_a = jax.random.normal(k3, (NUM_CAMERA, 1), dtype=jnp.float32) * 0.01
    exposure_b = jax.random.normal(k4, (NUM_CAMERA, 1), dtype=jnp.float32) * 0.01
    return {"idx": idx, "image": image, "exposure_a": exposure_a, "exposure_b": exposure_b}


def reference(idx, image, exposure_a, exposure_b):
    # gather per-camera exposure params: [B, 1]
    a = jnp.take(exposure_a, idx, axis=0)
    b = jnp.take(exposure_b, idx, axis=0)
    out = jnp.exp(a) * image + b
    out = jnp.clip(out, 0.0, 1.0)
    return out

if __name__ == "__main__":
    import jax
    _d = setup_inputs()
    print(jax.jit(kernel)(*tuple(_d.values())))

</pallas_src>

<mosaic_0001>
#map = affine_map<(d0, d1) -> (0)>
module attributes {stable_mosaic.version = 14 : i64} {
  func.func @sc_kernel(%arg0: i32, %arg1: i32, %arg2: memref<4096xi32, #tpu.memory_space<hbm>>, %arg3: memref<100000xf32, #tpu.memory_space<hbm>>, %arg4: memref<100000xf32, #tpu.memory_space<hbm>>, %arg5: memref<4096xf32, #tpu.memory_space<hbm>>, %arg6: memref<4096xf32, #tpu.memory_space<hbm>>, %arg7: memref<128xi32, #tpu.memory_space<vmem>>, %arg8: memref<128xf32, #tpu.memory_space<vmem>>, %arg9: memref<128xf32, #tpu.memory_space<vmem>>, %arg10: memref<!tpu.dma_semaphore, #tpu.memory_space<semaphore_mem>>, %arg11: memref<!tpu.dma_semaphore, #tpu.memory_space<semaphore_mem>>) attributes {dimension_semantics = [#tpu.dimension_semantics<core_parallel>, #tpu.dimension_semantics<subcore_parallel>], iteration_bounds = array<i64: 2, 16>, scalar_prefetch = 0 : i64, scratch_operands = 5 : i64, tpu.core_type = #tpu.core_type<sc_vector_subcore>, window_params = [{transform_indices = #map}, {transform_indices = #map}, {transform_indices = #map}, {transform_indices = #map}, {transform_indices = #map}]} {
    %mul3A = arith.constant 2 : i32
    %mul3A_0 = arith.muli %arg1, %mul3A : i32
    %add3A = arith.addi %mul3A_0, %arg0 : i32
    %mul3A_1 = arith.constant 128 : i32
    %mul3A_2 = arith.muli %add3A, %mul3A_1 : i32
    "tpu.region"() ({
      %run_scoped3A = tpu.sem_alloc : memref<!tpu.dma_semaphore, #tpu.memory_space<semaphore_mem>>
      %dma_start3A_70 = tpu.memref_slice %arg2[%mul3A_2] : memref<4096xi32, #tpu.memory_space<hbm>> -> memref<128xi32, #tpu.memory_space<hbm>>
      %dma_start3A_71 = tpu.memref_slice %arg2[%mul3A_2] : memref<4096xi32, #tpu.memory_space<hbm>> -> memref<128xi32, #tpu.memory_space<hbm>>
      tpu.enqueue_dma source(%dma_start3A_71 : memref<128xi32, #tpu.memory_space<hbm>>) target(%arg7 : memref<128xi32, #tpu.memory_space<vmem>>) target_semaphore(%run_scoped3A : memref<!tpu.dma_semaphore, #tpu.memory_space<semaphore_mem>>)
      %dma_wait3A_72 = tpu.memref_slice %arg2[%mul3A_2] : memref<4096xi32, #tpu.memory_space<hbm>> -> memref<128xi32, #tpu.memory_space<hbm>>
      %dma_wait3A_73 = tpu.memref_slice %arg2[%mul3A_2] : memref<4096xi32, #tpu.memory_space<hbm>> -> memref<128xi32, #tpu.memory_space<hbm>>
      tpu.wait_dma2 semaphore(%run_scoped3A : memref<!tpu.dma_semaphore, #tpu.memory_space<semaphore_mem>>) src(%dma_wait3A_73 : memref<128xi32, #tpu.memory_space<hbm>>) dst(%arg7 : memref<128xi32, #tpu.memory_space<vmem>>)
      tpu.yield
    }) : () -> ()
    %dma_start3A = arith.constant 0 : i32
    %dma_start3A_3 = tpu.memref_slice %arg3[%dma_start3A] : memref<100000xf32, #tpu.memory_space<hbm>> -> memref<100000xf32, #tpu.memory_space<hbm>>
    tpu.enqueue_indirect_dma source(%dma_start3A_3 : memref<100000xf32, #tpu.memory_space<hbm>>) target(%arg8 : memref<128xf32, #tpu.memory_space<vmem>>) offsets(%arg7 : memref<128xi32, #tpu.memory_space<vmem>>) semaphore(%arg10 : memref<!tpu.dma_semaphore, #tpu.memory_space<semaphore_mem>>)
    %dma_start3A_4 = arith.constant 0 : i32
    %dma_start3A_5 = tpu.memref_slice %arg4[%dma_start3A_4] : memref<100000xf32, #tpu.memory_space<hbm>> -> memref<100000xf32, #tpu.memory_space<hbm>>
    tpu.enqueue_indirect_dma source(%dma_start3A_5 : memref<100000xf32, #tpu.memory_space<hbm>>) target(%arg9 : memref<128xf32, #tpu.memory_space<vmem>>) offsets(%arg7 : memref<128xi32, #tpu.memory_space<vmem>>) semaphore(%arg11 : memref<!tpu.dma_semaphore, #tpu.memory_space<semaphore_mem>>)
    %dma_wait3A = arith.constant 0 : i32
    %dma_wait3A_6 = tpu.memref_slice %arg3[%dma_wait3A] : memref<100000xf32, #tpu.memory_space<hbm>> -> memref<100000xf32, #tpu.memory_space<hbm>>
    tpu.wait_indirect_dma semaphore(%arg10 : memref<!tpu.dma_semaphore, #tpu.memory_space<semaphore_mem>>) src(%dma_wait3A_6 : memref<100000xf32, #tpu.memory_space<hbm>>) dst(%arg8 : memref<128xf32, #tpu.memory_space<vmem>>)
    %dma_wait3A_7 = arith.constant 0 : i32
    %dma_wait3A_8 = tpu.memref_slice %arg4[%dma_wait3A_7] : memref<100000xf32, #tpu.memory_space<hbm>> -> memref<100000xf32, #tpu.memory_space<hbm>>
    tpu.wait_indirect_dma semaphore(%arg11 : memref<!tpu.dma_semaphore, #tpu.memory_space<semaphore_mem>>) src(%dma_wait3A_8 : memref<100000xf32, #tpu.memory_space<hbm>>) dst(%arg9 : memref<128xf32, #tpu.memory_space<vmem>>)
    %get3A = arith.constant 0 : index
    %get3A_9 = tpu.vector_load %arg8[%get3A] {strides = array<i32>} : memref<128xf32, #tpu.memory_space<vmem>>, vector<16xf32>,
    %get3A_10 = vector.shape_cast %get3A_9 : vector<16xf32> to vector<16xf32>
    %exp3A = math.exp %get3A_10 : vector<16xf32>
    %swap3A = arith.constant 0 : index
    %swap3A_11 = tpu.vector_load %arg8[%swap3A] {strides = array<i32>} : memref<128xf32, #tpu.memory_space<vmem>>, vector<16xf32>,
    %swap3A_12 = vector.shape_cast %swap3A_11 : vector<16xf32> to vector<16xf32>
    %swap3A_13 = vector.shape_cast %exp3A : vector<16xf32> to vector<16xf32>
    tpu.vector_store %arg8[%swap3A], %swap3A_13 {strides = array<i32>} : memref<128xf32, #tpu.memory_space<vmem>>, vector<16xf32>,
    %get3A_14 = arith.constant 16 : index
    %get3A_15 = tpu.vector_load %arg8[%get3A_14] {strides = array<i32>} : memref<128xf32, #tpu.memory_space<vmem>>, vector<16xf32>,
    %get3A_16 = vector.shape_cast %get3A_15 : vector<16xf32> to vector<16xf32>
    %exp3A_17 = math.exp %get3A_16 : vector<16xf32>
    %swap3A_18 = arith.constant 16 : index
    %swap3A_19 = tpu.vector_load %arg8[%swap3A_18] {strides = array<i32>} : memref<128xf32, #tpu.memory_space<vmem>>, vector<16xf32>,
    %swap3A_20 = vector.shape_cast %swap3A_19 : vector<16xf32> to vector<16xf32>
    %swap3A_21 = vector.shape_cast %exp3A_17 : vector<16xf32> to vector<16xf32>
    tpu.vector_store %arg8[%swap3A_18], %swap3A_21 {strides = array<i32>} : memref<128xf32, #tpu.memory_space<vmem>>, vector<16xf32>,
    %get3A_22 = arith.constant 32 : index
    %get3A_23 = tpu.vector_load %arg8[%get3A_22] {strides = array<i32>} : memref<128xf32, #tpu.memory_space<vmem>>, vector<16xf32>,
    %get3A_24 = vector.shape_cast %get3A_23 : vector<16xf32> to vector<16xf32>
    %exp3A_25 = math.exp %get3A_24 : vector<16xf32>
    %swap3A_26 = arith.constant 32 : index
    %swap3A_27 = tpu.vector_load %arg8[%swap3A_26] {strides = array<i32>} : memref<128xf32, #tpu.memory_space<vmem>>, vector<16xf32>,
    %swap3A_28 = vector.shape_cast %swap3A_27 : vector<16xf32> to vector<16xf32>
    %swap3A_29 = vector.shape_cast %exp3A_25 : vector<16xf32> to vector<16xf32>
    tpu.vector_store %arg8[%swap3A_26], %swap3A_29 {strides = array<i32>} : memref<128xf32, #tpu.memory_space<vmem>>, vector<16xf32>,
    %get3A_30 = arith.constant 48 : index
    %get3A_31 = tpu.vector_load %arg8[%get3A_30] {strides = array<i32>} : memref<128xf32, #tpu.memory_space<vmem>>, vector<16xf32>,
    %get3A_32 = vector.shape_cast %get3A_31 : vector<16xf32> to vector<16xf32>
    %exp3A_33 = math.exp %get3A_32 : vector<16xf32>
    %swap3A_34 = arith.constant 48 : index
    %swap3A_35 = tpu.vector_load %arg8[%swap3A_34] {strides = array<i32>} : memref<128xf32, #tpu.memory_space<vmem>>, vector<16xf32>,
    %swap3A_36 = vector.shape_cast %swap3A_35 : vector<16xf32> to vector<16xf32>
    %swap3A_37 = vector.shape_cast %exp3A_33 : vector<16xf32> to vector<16xf32>
    tpu.vector_store %arg8[%swap3A_34], %swap3A_37 {strides = array<i32>} : memref<128xf32, #tpu.memory_space<vmem>>, vector<16xf32>,
    %get3A_38 = arith.constant 64 : index
    %get3A_39 = tpu.vector_load %arg8[%get3A_38] {strides = array<i32>} : memref<128xf32, #tpu.memory_space<vmem>>, vector<16xf32>,
    %get3A_40 = vector.shape_cast %get3A_39 : vector<16xf32> to vector<16xf32>
    %exp3A_41 = math.exp %get3A_40 : vector<16xf32>
    %swap3A_42 = arith.constant 64 : index
    %swap3A_43 = tpu.vector_load %arg8[%swap3A_42] {strides = array<i32>} : memref<128xf32, #tpu.memory_space<vmem>>, vector<16xf32>,
    %swap3A_44 = vector.shape_cast %swap3A_43 : vector<16xf32> to vector<16xf32>
    %swap3A_45 = vector.shape_cast %exp3A_41 : vector<16xf32> to vector<16xf32>
    tpu.vector_store %arg8[%swap3A_42], %swap3A_45 {strides = array<i32>} : memref<128xf32, #tpu.memory_space<vmem>>, vector<16xf32>,
    %get3A_46 = arith.constant 80 : index
    %get3A_47 = tpu.vector_load %arg8[%get3A_46] {strides = array<i32>} : memref<128xf32, #tpu.memory_space<vmem>>, vector<16xf32>,
    %get3A_48 = vector.shape_cast %get3A_47 : vector<16xf32> to vector<16xf32>
    %exp3A_49 = math.exp %get3A_48 : vector<16xf32>
    %swap3A_50 = arith.constant 80 : index
    %swap3A_51 = tpu.vector_load %arg8[%swap3A_50] {strides = array<i32>} : memref<128xf32, #tpu.memory_space<vmem>>, vector<16xf32>,
    %swap3A_52 = vector.shape_cast %swap3A_51 : vector<16xf32> to vector<16xf32>
    %swap3A_53 = vector.shape_cast %exp3A_49 : vector<16xf32> to vector<16xf32>
    tpu.vector_store %arg8[%swap3A_50], %swap3A_53 {strides = array<i32>} : memref<128xf32, #tpu.memory_space<vmem>>, vector<16xf32>,
    %get3A_54 = arith.constant 96 : index
    %get3A_55 = tpu.vector_load %arg8[%get3A_54] {strides = array<i32>} : memref<128xf32, #tpu.memory_space<vmem>>, vector<16xf32>,
    %get3A_56 = vector.shape_cast %get3A_55 : vector<16xf32> to vector<16xf32>
    %exp3A_57 = math.exp %get3A_56 : vector<16xf32>
    %swap3A_58 = arith.constant 96 : index
    %swap3A_59 = tpu.vector_load %arg8[%swap3A_58] {strides = array<i32>} : memref<128xf32, #tpu.memory_space<vmem>>, vector<16xf32>,
    %swap3A_60 = vector.shape_cast %swap3A_59 : vector<16xf32> to vector<16xf32>
    %swap3A_61 = vector.shape_cast %exp3A_57 : vector<16xf32> to vector<16xf32>
    tpu.vector_store %arg8[%swap3A_58], %swap3A_61 {strides = array<i32>} : memref<128xf32, #tpu.memory_space<vmem>>, vector<16xf32>,
    %get3A_62 = arith.constant 112 : index
    %get3A_63 = tpu.vector_load %arg8[%get3A_62] {strides = array<i32>} : memref<128xf32, #tpu.memory_space<vmem>>, vector<16xf32>,
    %get3A_64 = vector.shape_cast %get3A_63 : vector<16xf32> to vector<16xf32>
    %exp3A_65 = math.exp %get3A_64 : vector<16xf32>
    %swap3A_66 = arith.constant 112 : index
    %swap3A_67 = tpu.vector_load %arg8[%swap3A_66] {strides = array<i32>} : memref<128xf32, #tpu.memory_space<vmem>>, vector<16xf32>,
    %swap3A_68 = vector.shape_cast %swap3A_67 : vector<16xf32> to vector<16xf32>
    %swap3A_69 = vector.shape_cast %exp3A_65 : vector<16xf32> to vector<16xf32>
    tpu.vector_store %arg8[%swap3A_66], %swap3A_69 {strides = array<i32>} : memref<128xf32, #tpu.memory_space<vmem>>, vector<16xf32>,
    "tpu.region"() ({
      %run_scoped3A = tpu.sem_alloc : memref<!tpu.dma_semaphore, #tpu.memory_space<semaphore_mem>>
      %dma_start3A_70 = tpu.memref_slice %arg5[%mul3A_2] : memref<4096xf32, #tpu.memory_space<hbm>> -> memref<128xf32, #tpu.memory_space<hbm>>
      %dma_start3A_71 = tpu.memref_slice %arg5[%mul3A_2] : memref<4096xf32, #tpu.memory_space<hbm>> -> memref<128xf32, #tpu.memory_space<hbm>>
      tpu.enqueue_dma source(%arg8 : memref<128xf32, #tpu.memory_space<vmem>>) target(%dma_start3A_71 : memref<128xf32, #tpu.memory_space<hbm>>) target_semaphore(%run_scoped3A : memref<!tpu.dma_semaphore, #tpu.memory_space<semaphore_mem>>)
      %dma_wait3A_72 = tpu.memref_slice %arg5[%mul3A_2] : memref<4096xf32, #tpu.memory_space<hbm>> -> memref<128xf32, #tpu.memory_space<hbm>>
      %dma_wait3A_73 = tpu.memref_slice %arg5[%mul3A_2] : memref<4096xf32, #tpu.memory_space<hbm>> -> memref<128xf32, #tpu.memory_space<hbm>>
      tpu.wait_dma2 semaphore(%run_scoped3A : memref<!tpu.dma_semaphore, #tpu.memory_space<semaphore_mem>>) src(%arg8 : memref<128xf32, #tpu.memory_space<vmem>>) dst(%dma_wait3A_73 : memref<128xf32, #tpu.memory_space<hbm>>)
      tpu.yield
    }) : () -> ()
    "tpu.region"() ({
      %run_scoped3A = tpu.sem_alloc : memref<!tpu.dma_semaphore, #tpu.memory_space<semaphore_mem>>
      %dma_start3A_70 = tpu.memref_slice %arg6[%mul3A_2] : memref<4096xf32, #tpu.memory_space<hbm>> -> memref<128xf32, #tpu.memory_space<hbm>>
      %dma_start3A_71 = tpu.memref_slice %arg6[%mul3A_2] : memref<4096xf32, #tpu.memory_space<hbm>> -> memref<128xf32, #tpu.memory_space<hbm>>
      tpu.enqueue_dma source(%arg9 : memref<128xf32, #tpu.memory_space<vmem>>) target(%dma_start3A_71 : memref<128xf32, #tpu.memory_space<hbm>>) target_semaphore(%run_scoped3A : memref<!tpu.dma_semaphore, #tpu.memory_space<semaphore_mem>>)
      %dma_wait3A_72 = tpu.memref_slice %arg6[%mul3A_2] : memref<4096xf32, #tpu.memory_space<hbm>> -> memref<128xf32, #tpu.memory_space<hbm>>
      %dma_wait3A_73 = tpu.memref_slice %arg6[%mul3A_2] : memref<4096xf32, #tpu.memory_space<hbm>> -> memref<128xf32, #tpu.memory_space<hbm>>
      tpu.wait_dma2 semaphore(%run_scoped3A : memref<!tpu.dma_semaphore, #tpu.memory_space<semaphore_mem>>) src(%arg9 : memref<128xf32, #tpu.memory_space<vmem>>) dst(%dma_wait3A_73 : memref<128xf32, #tpu.memory_space<hbm>>)
      tpu.yield
    }) : () -> ()
    return
  }
}

module attributes {stable_mosaic.version = 14 : i64} {
  func.func @body(%arg0: memref<4096xf32, #tpu.memory_space<vmem>>, %arg1: memref<4096xf32, #tpu.memory_space<vmem>>, %arg2: memref<4096x12288xf32, #tpu.memory_space<any>>, %arg3: memref<4096x12288xf32, #tpu.memory_space<any>>, %arg4: memref<5x128x12288xf32, #tpu.memory_space<vmem>>, %arg5: memref<3x128x12288xf32, #tpu.memory_space<vmem>>, %arg6: memref<5x!tpu.dma_semaphore, #tpu.memory_space<semaphore_mem>>, %arg7: memref<3x!tpu.dma_semaphore, #tpu.memory_space<semaphore_mem>>) attributes {dimension_semantics = [], scalar_prefetch = 0 : i64, scratch_operands = 4 : i64, tpu.core_type = #tpu.core_type<tc>} {
    %dma_start3A = arith.constant 0 : i32
    %dma_start3A_0 = arith.constant 0 : i32
    %dma_start3A_1 = tpu.memref_slice %arg6[%dma_start3A_0] : memref<5x!tpu.dma_semaphore, #tpu.memory_space<semaphore_mem>> -> memref<1x!tpu.dma_semaphore, #tpu.memory_space<semaphore_mem>>
    %dma_start3A_2 = tpu.memref_squeeze %dma_start3A_1 : memref<1x!tpu.dma_semaphore, #tpu.memory_space<semaphore_mem>> -> memref<!tpu.dma_semaphore, #tpu.memory_space<semaphore_mem>>
    %dma_start3A_3 = arith.constant 0 : i32
    %dma_start3A_4 = arith.constant 0 : i32
    %dma_start3A_5 = tpu.memref_slice %arg4[%dma_start3A, %dma_start3A_3, %dma_start3A_4] : memref<5x128x12288xf32, #tpu.memory_space<vmem>> -> memref<1x64x12288xf32, #tpu.memory_space<vmem>>
    %dma_start3A_6 = tpu.memref_squeeze %dma_start3A_5 : memref<1x64x12288xf32, #tpu.memory_space<vmem>> -> memref<64x12288xf32, #tpu.memory_space<vmem>>
    %dma_start3A_7 = arith.constant 0 : i32
    %dma_start3A_8 = arith.constant 0 : i32
    %dma_start3A_9 = tpu.memref_slice %arg2[%dma_start3A_7, %dma_start3A_8] : memref<4096x12288xf32, #tpu.memory_space<any>> -> memref<64x12288xf32, #tpu.memory_space<any>>
    tpu.enqueue_dma source(%dma_start3A_9 : memref<64x12288xf32, #tpu.memory_space<any>>) target(%dma_start3A_6 : memref<64x12288xf32, #tpu.memory_space<vmem>>) target_semaphore(%dma_start3A_2 : memref<!tpu.dma_semaphore, #tpu.memory_space<semaphore_mem>>)
    %dma_start3A_10 = arith.constant 0 : i32
    %dma_start3A_11 = arith.constant 0 : i32
    %dma_start3A_12 = tpu.memref_slice %arg6[%dma_start3A_11] : memref<5x!tpu.dma_semaphore, #tpu.memory_space<semaphore_mem>> -> memref<1x!tpu.dma_semaphore, #tpu.memory_space<semaphore_mem>>
    %dma_start3A_13 = tpu.memref_squeeze %dma_start3A_12 : memref<1x!tpu.dma_semaphore, #tpu.memory_space<semaphore_mem>> -> memref<!tpu.dma_semaphore, #tpu.memory_space<semaphore_mem>>
    %dma_start3A_14 = arith.constant 64 : i32
    %dma_start3A_15 = arith.constant 0 : i32
    %dma_start3A_16 = tpu.memref_slice %arg4[%dma_start3A_10, %dma_start3A_14, %dma_start3A_15] : memref<5x128x12288xf32, #tpu.memory_space<vmem>> -> memref<1x64x12288xf32, #tpu.memory_space<vmem>>
    %dma_start3A_17 = tpu.memref_squeeze %dma_start3A_16 : memref<1x64x12288xf32, #tpu.memory_space<vmem>> -> memref<64x12288xf32, #tpu.memory_space<vmem>>
    %dma_start3A_18 = arith.constant 64 : i32
    %dma_start3A_19 = arith.constant 0 : i32
    %dma_start3A_20 = tpu.memref_slice %arg2[%dma_start3A_18, %dma_start3A_19] : memref<4096x12288xf32, #tpu.memory_space<any>> -> memref<64x12288xf32, #tpu.memory_space<any>>
    tpu.enqueue_dma source(%dma_start3A_20 : memref<64x12288xf32, #tpu.memory_space<any>>) target(%dma_start3A_17 : memref<64x12288xf32, #tpu.memory_space<vmem>>) target_semaphore(%dma_start3A_13 : memref<!tpu.dma_semaphore, #tpu.memory_space<semaphore_mem>>)
    %dma_start3A_21 = arith.constant 1 : i32
    %dma_start3A_22 = arith.constant 1 : i32
    %dma_start3A_23 = tpu.memref_slice %arg6[%dma_start3A_22] : memref<5x!tpu.dma_semaphore, #tpu.memory_space<semaphore_mem>> -> memref<1x!tpu.dma_semaphore, #tpu.memory_space<semaphore_mem>>
    %dma_start3A_24 = tpu.memref_squeeze %dma_start3A_23 : memref<1x!tpu.dma_semaphore, #tpu.memory_space<semaphore_mem>> -> memref<!tpu.dma_semaphore, #tpu.memory_space<semaphore_mem>>
    %dma_start3A_25 = arith.constant 0 : i32
    %dma_start3A_26 = arith.constant 0 : i32
    %dma_start3A_27 = tpu.memref_slice %arg4[%dma_start3A_21, %dma_start3A_25, %dma_start3A_26] : memref<5x128x12288xf32, #tpu.memory_space<vmem>> -> memref<1x64x12288xf32, #tpu.memory_space<vmem>>
    %dma_start3A_28 = tpu.memref_squeeze %dma_start3A_27 : memref<1x64x12288xf32, #tpu.memory_space<vmem>> -> memref<64x12288xf32, #tpu.memory_space<vmem>>
    %dma_start3A_29 = arith.constant 128 : i32
    %dma_start3A_30 = arith.constant 0 : i32
    %dma_start3A_31 = tpu.memref_slice %arg2[%dma_start3A_29, %dma_start3A_30] : memref<4096x12288xf32, #tpu.memory_space<any>> -> memref<64x12288xf32, #tpu.memory_space<any>>
    tpu.enqueue_dma source(%dma_start3A_31 : memref<64x12288xf32, #tpu.memory_space<any>>) target(%dma_start3A_28 : memref<64x12288xf32, #tpu.memory_space<vmem>>) target_semaphore(%dma_start3A_24 : memref<!tpu.dma_semaphore, #tpu.memory_space<semaphore_mem>>)
    %dma_start3A_32 = arith.constant 1 : i32
    %dma_start3A_33 = arith.constant 1 : i32
    %dma_start3A_34 = tpu.memref_slice %arg6[%dma_start3A_33] : memref<5x!tpu.dma_semaphore, #tpu.memory_space<semaphore_mem>> -> memref<1x!tpu.dma_semaphore, #tpu.memory_space<semaphore_mem>>
    %dma_start3A_35 = tpu.memref_squeeze %dma_start3A_34 : memref<1x!tpu.dma_semaphore, #tpu.memory_space<semaphore_mem>> -> memref<!tpu.dma_semaphore, #tpu.memory_space<semaphore_mem>>
    %dma_start3A_36 = arith.constant 64 : i32
    %dma_start3A_37 = arith.constant 0 : i32
    %dma_start3A_38 = tpu.memref_slice %arg4[%dma_start3A_32, %dma_start3A_36, %dma_start3A_37] : memref<5x128x12288xf32, #tpu.memory_space<vmem>> -> memref<1x64x12288xf32, #tpu.memory_space<vmem>>
    %dma_start3A_39 = tpu.memref_squeeze %dma_start3A_38 : memref<1x64x12288xf32, #tpu.memory_space<vmem>> -> memref<64x12288xf32, #tpu.memory_space<vmem>>
    %dma_start3A_40 = arith.constant 192 : i32
    %dma_start3A_41 = arith.constant 0 : i32
    %dma_start3A_42 = tpu.memref_slice %arg2[%dma_start3A_40, %dma_start3A_41] : memref<4096x12288xf32, #tpu.memory_space<any>> -> memref<64x12288xf32, #tpu.memory_space<any>>
    tpu.enqueue_dma source(%dma_start3A_42 : memref<64x12288xf32, #tpu.memory_space<any>>) target(%dma_start3A_39 : memref<64x12288xf32, #tpu.memory_space<vmem>>) target_semaphore(%dma_start3A_35 : memref<!tpu.dma_semaphore, #tpu.memory_space<semaphore_mem>>)
    %dma_start3A_43 = arith.constant 2 : i32
    %dma_start3A_44 = arith.constant 2 : i32
    %dma_start3A_45 = tpu.memref_slice %arg6[%dma_start3A_44] : memref<5x!tpu.dma_semaphore, #tpu.memory_space<semaphore_mem>> -> memref<1x!tpu.dma_semaphore, #tpu.memory_space<semaphore_mem>>
    %dma_start3A_46 = tpu.memref_squeeze %dma_start3A_45 : memref<1x!tpu.dma_semaphore, #tpu.memory_space<semaphore_mem>> -> memref<!tpu.dma_semaphore, #tpu.memory_space<semaphore_mem>>
    %dma_start3A_47 = arith.constant 0 : i32
    %dma_start3A_48 = arith.constant 0 : i32
    %dma_start3A_49 = tpu.memref_slice %arg4[%dma_start3A_43, %dma_start3A_47, %dma_start3A_48] : memref<5x128x12288xf32, #tpu.memory_space<vmem>> -> memref<1x64x12288xf32, #tpu.memory_space<vmem>>
    %dma_start3A_50 = tpu.memref_squeeze %dma_start3A_49 : memref<1x64x12288xf32, #tpu.memory_space<vmem>> -> memref<64x12288xf32, #tpu.memory_space<vmem>>
    %dma_start3A_51 = arith.constant 256 : i32
    %dma_start3A_52 = arith.constant 0 : i32
    %dma_start3A_53 = tpu.memref_slice %arg2[%dma_start3A_51, %dma_start3A_52] : memref<4096x12288xf32, #tpu.memory_space<any>> -> memref<64x12288xf32, #tpu.memory_space<any>>
    tpu.enqueue_dma source(%dma_start3A_53 : memref<64x12288xf32, #tpu.memory_space<any>>) target(%dma_start3A_50 : memref<64x12288xf32, #tpu.memory_space<vmem>>) target_semaphore(%dma_start3A_46 : memref<!tpu.dma_semaphore, #tpu.memory_space<semaphore_mem>>)
    %dma_start3A_54 = arith.constant 2 : i32
    %dma_start3A_55 = arith.constant 2 : i32
    %dma_start3A_56 = tpu.memref_slice %arg6[%dma_start3A_55] : memref<5x!tpu.dma_semaphore, #tpu.memory_space<semaphore_mem>> -> memref<1x!tpu.dma_semaphore, #tpu.memory_space<semaphore_mem>>
    %dma_start3A_57 = tpu.memref_squeeze %dma_start3A_56 : memref<1x!tpu.dma_semaphore, #tpu.memory_space<semaphore_mem>> -> memref<!tpu.dma_semaphore, #tpu.memory_space<semaphore_mem>>
    %dma_start3A_58 = arith.constant 64 : i32
    %dma_start3A_59 = arith.constant 0 : i32
    %dma_start3A_60 = tpu.memref_slice %arg4[%dma_start3A_54, %dma_start3A_58, %dma_start3A_59] : memref<5x128x12288xf32, #tpu.memory_space<vmem>> -> memref<1x64x12288xf32, #tpu.memory_space<vmem>>
    %dma_start3A_61 = tpu.memref_squeeze %dma_start3A_60 : memref<1x64x12288xf32, #tpu.memory_space<vmem>> -> memref<64x12288xf32, #tpu.memory_space<vmem>>
    %dma_start3A_62 = arith.constant 320 : i32
    %dma_start3A_63 = arith.constant 0 : i32
    %dma_start3A_64 = tpu.memref_slice %arg2[%dma_start3A_62, %dma_start3A_63] : memref<4096x12288xf32, #tpu.memory_space<any>> -> memref<64x12288xf32, #tpu.memory_space<any>>
    tpu.enqueue_dma source(%dma_start3A_64 : memref<64x12288xf32, #tpu.memory_space<any>>) target(%dma_start3A_61 : memref<64x12288xf32, #tpu.memory_space<vmem>>) target_semaphore(%dma_start3A_57 : memref<!tpu.dma_semaphore, #tpu.memory_space<semaphore_mem>>)
    %dma_start3A_65 = arith.constant 3 : i32
    %dma_start3A_66 = arith.constant 3 : i32
    %dma_start3A_67 = tpu.memref_slice %arg6[%dma_start3A_66] : memref<5x!tpu.dma_semaphore, #tpu.memory_space<semaphore_mem>> -> memref<1x!tpu.dma_semaphore, #tpu.memory_space<semaphore_mem>>
    %dma_start3A_68 = tpu.memref_squeeze %dma_start3A_67 : memref<1x!tpu.dma_semaphore, #tpu.memory_space<semaphore_mem>> -> memref<!tpu.dma_semaphore, #tpu.memory_space<semaphore_mem>>
    %dma_start3A_69 = arith.constant 0 : i32
    %dma_start3A_70 = arith.constant 0 : i32
    %dma_start3A_71 = tpu.memref_slice %arg4[%dma_start3A_65, %dma_start3A_69, %dma_start3A_70] : memref<5x128x12288xf32, #tpu.memory_space<vmem>> -> memref<1x64x12288xf32, #tpu.memory_space<vmem>>
    %dma_start3A_72 = tpu.memref_squeeze %dma_start3A_71 : memref<1x64x12288xf32, #tpu.memory_space<vmem>> -> memref<64x12288xf32, #tpu.memory_space<vmem>>
    %dma_start3A_73 = arith.constant 384 : i32
    %dma_start3A_74 = arith.constant 0 : i32
    %dma_start3A_75 = tpu.memref_slice %arg2[%dma_start3A_73, %dma_start3A_74] : memref<4096x12288xf32, #tpu.memory_space<any>> -> memref<64x12288xf32, #tpu.memory_space<any>>
    tpu.enqueue_dma source(%dma_start3A_75 : memref<64x12288xf32, #tpu.memory_space<any>>) target(%dma_start3A_72 : memref<64x12288xf32, #tpu.memory_space<vmem>>) target_semaphore(%dma_start3A_68 : memref<!tpu.dma_semaphore, #tpu.memory_space<semaphore_mem>>)
    %dma_start3A_76 = arith.constant 3 : i32
    %dma_start3A_77 = arith.constant 3 : i32
    %dma_start3A_78 = tpu.memref_slice %arg6[%dma_start3A_77] : memref<5x!tpu.dma_semaphore, #tpu.memory_space<semaphore_mem>> -> memref<1x!tpu.dma_semaphore, #tpu.memory_space<semaphore_mem>>
    %dma_start3A_79 = tpu.memref_squeeze %dma_start3A_78 : memref<1x!tpu.dma_semaphore, #tpu.memory_space<semaphore_mem>> -> memref<!tpu.dma_semaphore, #tpu.memory_space<semaphore_mem>>
    %dma_start3A_80 = arith.constant 64 : i32
    %dma_start3A_81 = arith.constant 0 : i32
    %dma_start3A_82 = tpu.memref_slice %arg4[%dma_start3A_76, %dma_start3A_80, %dma_start3A_81] : memref<5x128x12288xf32, #tpu.memory_space<vmem>> -> memref<1x64x12288xf32, #tpu.memory_space<vmem>>
    %dma_start3A_83 = tpu.memref_squeeze %dma_start3A_82 : memref<1x64x12288xf32, #tpu.memory_space<vmem>> -> memref<64x12288xf32, #tpu.memory_space<vmem>>
    %dma_start3A_84 = arith.constant 448 : i32
    %dma_start3A_85 = arith.constant 0 : i32
    %dma_start3A_86 = tpu.memref_slice %arg2[%dma_start3A_84, %dma_start3A_85] : memref<4096x12288xf32, #tpu.memory_space<any>> -> memref<64x12288xf32, #tpu.memory_space<any>>
    tpu.enqueue_dma source(%dma_start3A_86 : memref<64x12288xf32, #tpu.memory_space<any>>) target(%dma_start3A_83 : memref<64x12288xf32, #tpu.memory_space<vmem>>) target_semaphore(%dma_start3A_79 : memref<!tpu.dma_semaphore, #tpu.memory_space<semaphore_mem>>)
    %scan3A = arith.constant 0 : i32
    %scan3A_87 = arith.constant 32 : i32
    %scan3A_88 = arith.addi %scan3A, %scan3A_87 : i32
    %scan3A_89 = arith.constant 1 : i32
    scf.for %scan3A_156 = %scan3A to %scan3A_88 step %scan3A_89  : i32 {
      %rem3A = arith.constant 5 : i32
      %rem3A_157 = arith.remsi %scan3A_156, %rem3A : i32
      %rem3A_158 = arith.constant 3 : i32
      %rem3A_159 = arith.remsi %scan3A_156, %rem3A_158 : i32
      %add3A = arith.constant 5 : i32
      %add3A_160 = arith.addi %scan3A_156, %add3A : i32
      %sub3A = arith.constant 1 : i32
      %sub3A_161 = arith.subi %add3A_160, %sub3A : i32
      %lt3A = arith.constant 32 : i32
      %lt3A_162 = arith.cmpi slt, %sub3A_161, %lt3A : i32
      %convert_element_type3A = arith.extui %lt3A_162 : i1 to i32
      %cond3A = arith.constant 0 : i32
      %cond3A_163 = arith.cmpi ne, %convert_element_type3A, %cond3A : i32
      scf.if %cond3A_163 {
        %rem3A_241 = arith.constant 5 : i32
        %rem3A_242 = arith.remsi %sub3A_161, %rem3A_241 : i32
        %mul3A_243 = arith.constant 128 : i32
        %mul3A_244 = arith.muli %sub3A_161, %mul3A_243 : i32
        %add3A_245 = arith.constant 0 : i32
        %add3A_246 = arith.addi %mul3A_244, %add3A_245 : i32
        %mul3A_247 = arith.constant 128 : i32
        %mul3A_248 = arith.muli %sub3A_161, %mul3A_247 : i32
        %add3A_249 = arith.constant 64 : i32
        %add3A_250 = arith.addi %mul3A_248, %add3A_249 : i32
        %dma_start3A_251 = tpu.memref_slice %arg6[%rem3A_242] : memref<5x!tpu.dma_semaphore, #tpu.memory_space<semaphore_mem>> -> memref<1x!tpu.dma_semaphore, #tpu.memory_space<semaphore_mem>>
        %dma_start3A_252 = tpu.memref_squeeze %dma_start3A_251 : memref<1x!tpu.dma_semaphore, #tpu.memory_space<semaphore_mem>> -> memref<!tpu.dma_semaphore, #tpu.memory_space<semaphore_mem>>
        %dma_start3A_253 = arith.constant 0 : i32
        %dma_start3A_254 = arith.constant 0 : i32
        %dma_start3A_255 = tpu.memref_slice %arg4[%rem3A_242, %dma_start3A_253, %dma_start3A_254] : memref<5x128x12288xf32, #tpu.memory_space<vmem>> -> memref<1x64x12288xf32, #tpu.memory_space<vmem>>
        %dma_start3A_256 = tpu.memref_squeeze %dma_start3A_255 : memref<1x64x12288xf32, #tpu.memory_space<vmem>> -> memref<64x12288xf32, #tpu.memory_space<vmem>>
        %dma_start3A_257 = arith.constant 0 : i32
        %dma_start3A_258 = tpu.memref_slice %arg2[%add3A_246, %dma_start3A_257] : memref<4096x12288xf32, #tpu.memory_space<any>> -> memref<64x12288xf32, #tpu.memory_space<any>>
        tpu.enqueue_dma source(%dma_start3A_258 : memref<64x12288xf32, #tpu.memory_space<any>>) target(%dma_start3A_256 : memref<64x12288xf32, #tpu.memory_space<vmem>>) target_semaphore(%dma_start3A_252 : memref<!tpu.dma_semaphore, #tpu.memory_space<semaphore_mem>>)
        %dma_start3A_259 = tpu.memref_slice %arg6[%rem3A_242] : memref<5x!tpu.dma_semaphore, #tpu.memory_space<semaphore_mem>> -> memref<1x!tpu.dma_semaphore, #tpu.memory_space<semaphore_mem>>
        %dma_start3A_260 = tpu.memref_squeeze %dma_start3A_259 : memref<1x!tpu.dma_semaphore, #tpu.memory_space<semaphore_mem>> -> memref<!tpu.dma_semaphore, #tpu.memory_space<semaphore_mem>>
        %dma_start3A_261 = arith.constant 64 : i32
        %dma_start3A_262 = arith.constant 0 : i32
        %dma_start3A_263 = tpu.memref_slice %arg4[%rem3A_242, %dma_start3A_261, %dma_start3A_262] : memref<5x128x12288xf32, #tpu.memory_space<vmem>> -> memref<1x64x12288xf32, #tpu.memory_space<vmem>>
        %dma_start3A_264 = tpu.memref_squeeze %dma_start3A_263 : memref<1x64x12288xf32, #tpu.memory_space<vmem>> -> memref<64x12288xf32, #tpu.memory_space<vmem>>
        %dma_start3A_265 = arith.constant 0 : i32
        %dma_start3A_266 = tpu.memref_slice %arg2[%add3A_250, %dma_start3A_265] : memref<4096x12288xf32, #tpu.memory_space<any>> -> memref<64x12288xf32, #tpu.memory_space<any>>
        tpu.enqueue_dma source(%dma_start3A_266 : memref<64x12288xf32, #tpu.memory_space<any>>) target(%dma_start3A_264 : memref<64x12288xf32, #tpu.memory_space<vmem>>) target_semaphore(%dma_start3A_260 : memref<!tpu.dma_semaphore, #tpu.memory_space<semaphore_mem>>)
      } else {
      }
      %mul3A = arith.constant 128 : i32
      %mul3A_164 = arith.muli %scan3A_156, %mul3A : i32
      %add3A_165 = arith.constant 0 : i32
      %add3A_166 = arith.addi %mul3A_164, %add3A_165 : i32
      %mul3A_167 = arith.constant 128 : i32
      %mul3A_168 = arith.muli %scan3A_156, %mul3A_167 : i32
      %add3A_169 = arith.constant 64 : i32
      %add3A_170 = arith.addi %mul3A_168, %add3A_169 : i32
      %dma_wait3A_171 = tpu.memref_slice %arg6[%rem3A_157] : memref<5x!tpu.dma_semaphore, #tpu.memory_space<semaphore_mem>> -> memref<1x!tpu.dma_semaphore, #tpu.memory_space<semaphore_mem>>
      %dma_wait3A_172 = tpu.memref_squeeze %dma_wait3A_171 : memref<1x!tpu.dma_semaphore, #tpu.memory_space<semaphore_mem>> -> memref<!tpu.dma_semaphore, #tpu.memory_space<semaphore_mem>>
      %dma_wait3A_173 = arith.constant 0 : i32
      %dma_wait3A_174 = arith.constant 0 : i32
      %dma_wait3A_175 = tpu.memref_slice %arg4[%rem3A_157, %dma_wait3A_173, %dma_wait3A_174] : memref<5x128x12288xf32, #tpu.memory_space<vmem>> -> memref<1x64x12288xf32, #tpu.memory_space<vmem>>
      %dma_wait3A_176 = tpu.memref_squeeze %dma_wait3A_175 : memref<1x64x12288xf32, #tpu.memory_space<vmem>> -> memref<64x12288xf32, #tpu.memory_space<vmem>>
      %dma_wait3A_177 = arith.constant 0 : i32
      %dma_wait3A_178 = tpu.memref_slice %arg2[%add3A_166, %dma_wait3A_177] : memref<4096x12288xf32, #tpu.memory_space<any>> -> memref<64x12288xf32, #tpu.memory_space<any>>
      tpu.wait_dma2 semaphore(%dma_wait3A_172 : memref<!tpu.dma_semaphore, #tpu.memory_space<semaphore_mem>>) src(%dma_wait3A_178 : memref<64x12288xf32, #tpu.memory_space<any>>) dst(%dma_wait3A_176 : memref<64x12288xf32, #tpu.memory_space<vmem>>)
      %dma_wait3A_179 = tpu.memref_slice %arg6[%rem3A_157] : memref<5x!tpu.dma_semaphore, #tpu.memory_space<semaphore_mem>> -> memref<1x!tpu.dma_semaphore, #tpu.memory_space<semaphore_mem>>
      %dma_wait3A_180 = tpu.memref_squeeze %dma_wait3A_179 : memref<1x!tpu.dma_semaphore, #tpu.memory_space<semaphore_mem>> -> memref<!tpu.dma_semaphore, #tpu.memory_space<semaphore_mem>>
      %dma_wait3A_181 = arith.constant 64 : i32
      %dma_wait3A_182 = arith.constant 0 : i32
      %dma_wait3A_183 = tpu.memref_slice %arg4[%rem3A_157, %dma_wait3A_181, %dma_wait3A_182] : memref<5x128x12288xf32, #tpu.memory_space<vmem>> -> memref<1x64x12288xf32, #tpu.memory_space<vmem>>
      %dma_wait3A_184 = tpu.memref_squeeze %dma_wait3A_183 : memref<1x64x12288xf32, #tpu.memory_space<vmem>> -> memref<64x12288xf32, #tpu.memory_space<vmem>>
      %dma_wait3A_185 = arith.constant 0 : i32
      %dma_wait3A_186 = tpu.memref_slice %arg2[%add3A_170, %dma_wait3A_185] : memref<4096x12288xf32, #tpu.memory_space<any>> -> memref<64x12288xf32, #tpu.memory_space<any>>
      tpu.wait_dma2 semaphore(%dma_wait3A_180 : memref<!tpu.dma_semaphore, #tpu.memory_space<semaphore_mem>>) src(%dma_wait3A_186 : memref<64x12288xf32, #tpu.memory_space<any>>) dst(%dma_wait3A_184 : memref<64x12288xf32, #tpu.memory_space<vmem>>)
      %ge3A = arith.constant 3 : i32
      %ge3A_187 = arith.cmpi sge, %scan3A_156, %ge3A : i32
      %convert_element_type3A_188 = arith.extui %ge3A_187 : i1 to i32
      %cond3A_189 = arith.constant 0 : i32
      %cond3A_190 = arith.cmpi ne, %convert_element_type3A_188, %cond3A_189 : i32
      scf.if %cond3A_190 {
        %sub3A_241 = arith.constant 3 : i32
        %sub3A_242 = arith.subi %scan3A_156, %sub3A_241 : i32
        %mul3A_243 = arith.constant 128 : i32
        %mul3A_244 = arith.muli %sub3A_242, %mul3A_243 : i32
        %add3A_245 = arith.constant 0 : i32
        %add3A_246 = arith.addi %mul3A_244, %add3A_245 : i32
        %mul3A_247 = arith.constant 128 : i32
        %mul3A_248 = arith.muli %sub3A_242, %mul3A_247 : i32
        %add3A_249 = arith.constant 64 : i32
        %add3A_250 = arith.addi %mul3A_248, %add3A_249 : i32
        %dma_wait3A_251 = tpu.memref_slice %arg7[%rem3A_159] : memref<3x!tpu.dma_semaphore, #tpu.memory_space<semaphore_mem>> -> memref<1x!tpu.dma_semaphore, #tpu.memory_space<semaphore_mem>>
        %dma_wait3A_252 = tpu.memref_squeeze %dma_wait3A_251 : memref<1x!tpu.dma_semaphore, #tpu.memory_space<semaphore_mem>> -> memref<!tpu.dma_semaphore, #tpu.memory_space<semaphore_mem>>
        %dma_wait3A_253 = arith.constant 0 : i32
        %dma_wait3A_254 = tpu.memref_slice %arg3[%add3A_246, %dma_wait3A_253] : memref<4096x12288xf32, #tpu.memory_space<any>> -> memref<64x12288xf32, #tpu.memory_space<any>>
        %dma_wait3A_255 = arith.constant 0 : i32
        %dma_wait3A_256 = arith.constant 0 : i32
        %dma_wait3A_257 = tpu.memref_slice %arg5[%rem3A_159, %dma_wait3A_255, %dma_wait3A_256] : memref<3x128x12288xf32, #tpu.memory_space<vmem>> -> memref<1x64x12288xf32, #tpu.memory_space<vmem>>
        %dma_wait3A_258 = tpu.memref_squeeze %dma_wait3A_257 : memref<1x64x12288xf32, #tpu.memory_space<vmem>> -> memref<64x12288xf32, #tpu.memory_space<vmem>>
        tpu.wait_dma2 semaphore(%dma_wait3A_252 : memref<!tpu.dma_semaphore, #tpu.memory_space<semaphore_mem>>) src(%dma_wait3A_258 : memref<64x12288xf32, #tpu.memory_space<vmem>>) dst(%dma_wait3A_254 : memref<64x12288xf32, #tpu.memory_space<any>>)
        %dma_wait3A_259 = tpu.memref_slice %arg7[%rem3A_159] : memref<3x!tpu.dma_semaphore, #tpu.memory_space<semaphore_mem>> -> memref<1x!tpu.dma_semaphore, #tpu.memory_space<semaphore_mem>>
        %dma_wait3A_260 = tpu.memref_squeeze %dma_wait3A_259 : memref<1x!tpu.dma_semaphore, #tpu.memory_space<semaphore_mem>> -> memref<!tpu.dma_semaphore, #tpu.memory_space<semaphore_mem>>
        %dma_wait3A_261 = arith.constant 0 : i32
        %dma_wait3A_262 = tpu.memref_slice %arg3[%add3A_250, %dma_wait3A_261] : memref<4096x12288xf32, #tpu.memory_space<any>> -> memref<64x12288xf32, #tpu.memory_space<any>>
        %dma_wait3A_263 = arith.constant 64 : i32
        %dma_wait3A_264 = arith.constant 0 : i32
        %dma_wait3A_265 = tpu.memref_slice %arg5[%rem3A_159, %dma_wait3A_263, %dma_wait3A_264] : memref<3x128x12288xf32, #tpu.memory_space<vmem>> -> memref<1x64x12288xf32, #tpu.memory_space<vmem>>
        %dma_wait3A_266 = tpu.memref_squeeze %dma_wait3A_265 : memref<1x64x12288xf32, #tpu.memory_space<vmem>> -> memref<64x12288xf32, #tpu.memory_space<vmem>>
        tpu.wait_dma2 semaphore(%dma_wait3A_260 : memref<!tpu.dma_semaphore, #tpu.memory_space<semaphore_mem>>) src(%dma_wait3A_266 : memref<64x12288xf32, #tpu.memory_space<vmem>>) dst(%dma_wait3A_262 : memref<64x12288xf32, #tpu.memory_space<any>>)
      } else {
      }
      %mul3A_191 = arith.constant 128 : i32
      %mul3A_192 = arith.muli %scan3A_156, %mul3A_191 : i32
      %multiple_of3A = tpu.assume_multiple %mul3A_192, 128 : i32
      %get3A = arith.index_cast %multiple_of3A : i32 to index
      %get3A_193 = vector.load %arg0[%get3A] : memref<4096xf32, #tpu.memory_space<vmem>>, vector<128xf32>
      %reshape3A = vector.shape_cast %get3A_193 : vector<128xf32> to vector<128x1xf32>
      %mul3A_194 = arith.constant 128 : i32
      %mul3A_195 = arith.muli %scan3A_156, %mul3A_194 : i32
      %multiple_of3A_196 = tpu.assume_multiple %mul3A_195, 128 : i32
      %get3A_197 = arith.index_cast %multiple_of3A_196 : i32 to index
      %get3A_198 = vector.load %arg1[%get3A_197] : memref<4096xf32, #tpu.memory_space<vmem>>, vector<128xf32>
      %reshape3A_199 = vector.shape_cast %get3A_198 : vector<128xf32> to vector<128x1xf32>
      %get3A_200 = arith.index_cast %rem3A_157 : i32 to index
      %get3A_201 = arith.constant 0 : index
      %get3A_202 = arith.constant 0 : index
      %get3A_203 = vector.load %arg4[%get3A_200, %get3A_201, %get3A_202] : memref<5x128x12288xf32, #tpu.memory_space<vmem>>, vector<1x128x12288xf32>
      %get3A_204 = vector.shape_cast %get3A_203 : vector<1x128x12288xf32> to vector<128x12288xf32>
      %mul3A_205 = vector.broadcast %reshape3A : vector<128x1xf32> to vector<128x12288xf32>
      %mul3A_206 = arith.mulf %mul3A_205, %get3A_204 : vector<128x12288xf32>
      %add3A_207 = vector.broadcast %reshape3A_199 : vector<128x1xf32> to vector<128x12288xf32>
      %add3A_208 = arith.addf %mul3A_206, %add3A_207 : vector<128x12288xf32>
      %jit3A = arith.constant 0.000000e+00 : f32
      %jit3A_209 = arith.constant 1.000000e+00 : f32
      %max3A = vector.broadcast %jit3A : f32 to vector<128x12288xf32>
      %max3A_210 = arith.maximumf %max3A, %add3A_208 : vector<128x12288xf32>
      %min3A = vector.broadcast %jit3A_209 : f32 to vector<128x12288xf32>
      %min3A_211 = arith.minimumf %min3A, %max3A_210 : vector<128x12288xf32>
      %swap3A = arith.index_cast %rem3A_159 : i32 to index
      %swap3A_212 = arith.constant 0 : index
      %swap3A_213 = arith.constant 0 : index
      %swap3A_214 = vector.load %arg5[%swap3A, %swap3A_212, %swap3A_213] : memref<3x128x12288xf32, #tpu.memory_space<vmem>>, vector<1x128x12288xf32>
      %swap3A_215 = vector.shape_cast %swap3A_214 : vector<1x128x12288xf32> to vector<128x12288xf32>
      %swap3A_216 = vector.shape_cast %min3A_211 : vector<128x12288xf32> to vector<1x128x12288xf32>
      tpu.vector_store %arg5[%swap3A, %swap3A_212, %swap3A_213], %swap3A_216 {strides = array<i32>} : memref<3x128x12288xf32, #tpu.memory_space<vmem>>, vector<1x128x12288xf32>,
      %mul3A_217 = arith.constant 128 : i32
      %mul3A_218 = arith.muli %scan3A_156, %mul3A_217 : i32
      %add3A_219 = arith.constant 0 : i32
      %add3A_220 = arith.addi %mul3A_218, %add3A_219 : i32
      %mul3A_221 = arith.constant 128 : i32
      %mul3A_222 = arith.muli %scan3A_156, %mul3A_221 : i32
      %add3A_223 = arith.constant 64 : i32
      %add3A_224 = arith.addi %mul3A_222, %add3A_223 : i32
      %dma_start3A_225 = tpu.memref_slice %arg7[%rem3A_159] : memref<3x!tpu.dma_semaphore, #tpu.memory_space<semaphore_mem>> -> memref<1x!tpu.dma_semaphore, #tpu.memory_space<semaphore_mem>>
      %dma_start3A_226 = tpu.memref_squeeze %dma_start3A_225 : memref<1x!tpu.dma_semaphore, #tpu.memory_space<semaphore_mem>> -> memref<!tpu.dma_semaphore, #tpu.memory_space<semaphore_mem>>
      %dma_start3A_227 = arith.constant 0 : i32
      %dma_start3A_228 = tpu.memref_slice %arg3[%add3A_220, %dma_start3A_227] : memref<4096x12288xf32, #tpu.memory_space<any>> -> memref<64x12288xf32, #tpu.memory_space<any>>
      %dma_start3A_229 = arith.constant 0 : i32
      %dma_start3A_230 = arith.constant 0 : i32
      %dma_start3A_231 = tpu.memref_slice %arg5[%rem3A_159, %dma_start3A_229, %dma_start3A_230] : memref<3x128x12288xf32, #tpu.memory_space<vmem>> -> memref<1x64x12288xf32, #tpu.memory_space<vmem>>
      %dma_start3A_232 = tpu.memref_squeeze %dma_start3A_231 : memref<1x64x12288xf32, #tpu.memory_space<vmem>> -> memref<64x12288xf32, #tpu.memory_space<vmem>>
      tpu.enqueue_dma source(%dma_start3A_232 : memref<64x12288xf32, #tpu.memory_space<vmem>>) target(%dma_start3A_228 : memref<64x12288xf32, #tpu.memory_space<any>>) target_semaphore(%dma_start3A_226 : memref<!tpu.dma_semaphore, #tpu.memory_space<semaphore_mem>>)
      %dma_start3A_233 = tpu.memref_slice %arg7[%rem3A_159] : memref<3x!tpu.dma_semaphore, #tpu.memory_space<semaphore_mem>> -> memref<1x!tpu.dma_semaphore, #tpu.memory_space<semaphore_mem>>
      %dma_start3A_234 = tpu.memref_squeeze %dma_start3A_233 : memref<1x!tpu.dma_semaphore, #tpu.memory_space<semaphore_mem>> -> memref<!tpu.dma_semaphore, #tpu.memory_space<semaphore_mem>>
      %dma_start3A_235 = arith.constant 0 : i32
      %dma_start3A_236 = tpu.memref_slice %arg3[%add3A_224, %dma_start3A_235] : memref<4096x12288xf32, #tpu.memory_space<any>> -> memref<64x12288xf32, #tpu.memory_space<any>>
      %dma_start3A_237 = arith.constant 64 : i32
      %dma_start3A_238 = arith.constant 0 : i32
      %dma_start3A_239 = tpu.memref_slice %arg5[%rem3A_159, %dma_start3A_237, %dma_start3A_238] : memref<3x128x12288xf32, #tpu.memory_space<vmem>> -> memref<1x64x12288xf32, #tpu.memory_space<vmem>>
      %dma_start3A_240 = tpu.memref_squeeze %dma_start3A_239 : memref<1x64x12288xf32, #tpu.memory_space<vmem>> -> memref<64x12288xf32, #tpu.memory_space<vmem>>
      tpu.enqueue_dma source(%dma_start3A_240 : memref<64x12288xf32, #tpu.memory_space<vmem>>) target(%dma_start3A_236 : memref<64x12288xf32, #tpu.memory_space<any>>) target_semaphore(%dma_start3A_234 : memref<!tpu.dma_semaphore, #tpu.memory_space<semaphore_mem>>)
    }
    %scan3A_90 = arith.constant 32 : i32
    %dma_wait3A = arith.constant 2 : i32
    %dma_wait3A_91 = arith.constant 2 : i32
    %dma_wait3A_92 = tpu.memref_slice %arg7[%dma_wait3A_91] : memref<3x!tpu.dma_semaphore, #tpu.memory_space<semaphore_mem>> -> memref<1x!tpu.dma_semaphore, #tpu.memory_space<semaphore_mem>>
    %dma_wait3A_93 = tpu.memref_squeeze %dma_wait3A_92 : memref<1x!tpu.dma_semaphore, #tpu.memory_space<semaphore_mem>> -> memref<!tpu.dma_semaphore, #tpu.memory_space<semaphore_mem>>
    %dma_wait3A_94 = arith.constant 3712 : i32
    %dma_wait3A_95 = arith.constant 0 : i32
    %dma_wait3A_96 = tpu.memref_slice %arg3[%dma_wait3A_94, %dma_wait3A_95] : memref<4096x12288xf32, #tpu.memory_space<any>> -> memref<64x12288xf32, #tpu.memory_space<any>>
    %dma_wait3A_97 = arith.constant 0 : i32
    %dma_wait3A_98 = arith.constant 0 : i32
    %dma_wait3A_99 = tpu.memref_slice %arg5[%dma_wait3A, %dma_wait3A_97, %dma_wait3A_98] : memref<3x128x12288xf32, #tpu.memory_space<vmem>> -> memref<1x64x12288xf32, #tpu.memory_space<vmem>>
    %dma_wait3A_100 = tpu.memref_squeeze %dma_wait3A_99 : memref<1x64x12288xf32, #tpu.memory_space<vmem>> -> memref<64x12288xf32, #tpu.memory_space<vmem>>
    tpu.wait_dma2 semaphore(%dma_wait3A_93 : memref<!tpu.dma_semaphore, #tpu.memory_space<semaphore_mem>>) src(%dma_wait3A_100 : memref<64x12288xf32, #tpu.memory_space<vmem>>) dst(%dma_wait3A_96 : memref<64x12288xf32, #tpu.memory_space<any>>)
    %dma_wait3A_101 = arith.constant 2 : i32
    %dma_wait3A_102 = arith.constant 2 : i32
    %dma_wait3A_103 = tpu.memref_slice %arg7[%dma_wait3A_102] : memref<3x!tpu.dma_semaphore, #tpu.memory_space<semaphore_mem>> -> memref<1x!tpu.dma_semaphore, #tpu.memory_space<semaphore_mem>>
    %dma_wait3A_104 = tpu.memref_squeeze %dma_wait3A_103 : memref<1x!tpu.dma_semaphore, #tpu.memory_space<semaphore_mem>> -> memref<!tpu.dma_semaphore, #tpu.memory_space<semaphore_mem>>
    %dma_wait3A_105 = arith.constant 3776 : i32
    %dma_wait3A_106 = arith.constant 0 : i32
    %dma_wait3A_107 = tpu.memref_slice %arg3[%dma_wait3A_105, %dma_wait3A_106] : memref<4096x12288xf32, #tpu.memory_space<any>> -> memref<64x12288xf32, #tpu.memory_space<any>>
    %dma_wait3A_108 = arith.constant 64 : i32
    %dma_wait3A_109 = arith.constant 0 : i32
    %dma_wait3A_110 = tpu.memref_slice %arg5[%dma_wait3A_101, %dma_wait3A_108, %dma_wait3A_109] : memref<3x128x12288xf32, #tpu.memory_space<vmem>> -> memref<1x64x12288xf32, #tpu.memory_space<vmem>>
    %dma_wait3A_111 = tpu.memref_squeeze %dma_wait3A_110 : memref<1x64x12288xf32, #tpu.memory_space<vmem>> -> memref<64x12288xf32, #tpu.memory_space<vmem>>
    tpu.wait_dma2 semaphore(%dma_wait3A_104 : memref<!tpu.dma_semaphore, #tpu.memory_space<semaphore_mem>>) src(%dma_wait3A_111 : memref<64x12288xf32, #tpu.memory_space<vmem>>) dst(%dma_wait3A_107 : memref<64x12288xf32, #tpu.memory_space<any>>)
    %dma_wait3A_112 = arith.constant 0 : i32
    %dma_wait3A_113 = arith.constant 0 : i32
    %dma_wait3A_114 = tpu.memref_slice %arg7[%dma_wait3A_113] : memref<3x!tpu.dma_semaphore, #tpu.memory_space<semaphore_mem>> -> memref<1x!tpu.dma_semaphore, #tpu.memory_space<semaphore_mem>>
    %dma_wait3A_115 = tpu.memref_squeeze %dma_wait3A_114 : memref<1x!tpu.dma_semaphore, #tpu.memory_space<semaphore_mem>> -> memref<!tpu.dma_semaphore, #tpu.memory_space<semaphore_mem>>
    %dma_wait3A_116 = arith.constant 3840 : i32
    %dma_wait3A_117 = arith.constant 0 : i32
    %dma_wait3A_118 = tpu.memref_slice %arg3[%dma_wait3A_116, %dma_wait3A_117] : memref<4096x12288xf32, #tpu.memory_space<any>> -> memref<64x12288xf32, #tpu.memory_space<any>>
    %dma_wait3A_119 = arith.constant 0 : i32
    %dma_wait3A_120 = arith.constant 0 : i32
    %dma_wait3A_121 = tpu.memref_slice %arg5[%dma_wait3A_112, %dma_wait3A_119, %dma_wait3A_120] : memref<3x128x12288xf32, #tpu.memory_space<vmem>> -> memref<1x64x12288xf32, #tpu.memory_space<vmem>>
    %dma_wait3A_122 = tpu.memref_squeeze %dma_wait3A_121 : memref<1x64x12288xf32, #tpu.memory_space<vmem>> -> memref<64x12288xf32, #tpu.memory_space<vmem>>
    tpu.wait_dma2 semaphore(%dma_wait3A_115 : memref<!tpu.dma_semaphore, #tpu.memory_space<semaphore_mem>>) src(%dma_wait3A_122 : memref<64x12288xf32, #tpu.memory_space<vmem>>) dst(%dma_wait3A_118 : memref<64x12288xf32, #tpu.memory_space<any>>)
    %dma_wait3A_123 = arith.constant 0 : i32
    %dma_wait3A_124 = arith.constant 0 : i32
    %dma_wait3A_125 = tpu.memref_slice %arg7[%dma_wait3A_124] : memref<3x!tpu.dma_semaphore, #tpu.memory_space<semaphore_mem>> -> memref<1x!tpu.dma_semaphore, #tpu.memory_space<semaphore_mem>>
    %dma_wait3A_126 = tpu.memref_squeeze %dma_wait3A_125 : memref<1x!tpu.dma_semaphore, #tpu.memory_space<semaphore_mem>> -> memref<!tpu.dma_semaphore, #tpu.memory_space<semaphore_mem>>
    %dma_wait3A_127 = arith.constant 3904 : i32
    %dma_wait3A_128 = arith.constant 0 : i32
    %dma_wait3A_129 = tpu.memref_slice %arg3[%dma_wait3A_127, %dma_wait3A_128] : memref<4096x12288xf32, #tpu.memory_space<any>> -> memref<64x12288xf32, #tpu.memory_space<any>>
    %dma_wait3A_130 = arith.constant 64 : i32
    %dma_wait3A_131 = arith.constant 0 : i32
    %dma_wait3A_132 = tpu.memref_slice %arg5[%dma_wait3A_123, %dma_wait3A_130, %dma_wait3A_131] : memref<3x128x12288xf32, #tpu.memory_space<vmem>> -> memref<1x64x12288xf32, #tpu.memory_space<vmem>>
    %dma_wait3A_133 = tpu.memref_squeeze %dma_wait3A_132 : memref<1x64x12288xf32, #tpu.memory_space<vmem>> -> memref<64x12288xf32, #tpu.memory_space<vmem>>
    tpu.wait_dma2 semaphore(%dma_wait3A_126 : memref<!tpu.dma_semaphore, #tpu.memory_space<semaphore_mem>>) src(%dma_wait3A_133 : memref<64x12288xf32, #tpu.memory_space<vmem>>) dst(%dma_wait3A_129 : memref<64x12288xf32, #tpu.memory_space<any>>)
    %dma_wait3A_134 = arith.constant 1 : i32
    %dma_wait3A_135 = arith.constant 1 : i32
    %dma_wait3A_136 = tpu.memref_slice %arg7[%dma_wait3A_135] : memref<3x!tpu.dma_semaphore, #tpu.memory_space<semaphore_mem>> -> memref<1x!tpu.dma_semaphore, #tpu.memory_space<semaphore_mem>>
    %dma_wait3A_137 = tpu.memref_squeeze %dma_wait3A_136 : memref<1x!tpu.dma_semaphore, #tpu.memory_space<semaphore_mem>> -> memref<!tpu.dma_semaphore, #tpu.memory_space<semaphore_mem>>
    %dma_wait3A_138 = arith.constant 3968 : i32
    %dma_wait3A_139 = arith.constant 0 : i32
    %dma_wait3A_140 = tpu.memref_slice %arg3[%dma_wait3A_138, %dma_wait3A_139] : memref<4096x12288xf32, #tpu.memory_space<any>> -> memref<64x12288xf32, #tpu.memory_space<any>>
    %dma_wait3A_141 = arith.constant 0 : i32
    %dma_wait3A_142 = arith.constant 0 : i32
    %dma_wait3A_143 = tpu.memref_slice %arg5[%dma_wait3A_134, %dma_wait3A_141, %dma_wait3A_142] : memref<3x128x12288xf32, #tpu.memory_space<vmem>> -> memref<1x64x12288xf32, #tpu.memory_space<vmem>>
    %dma_wait3A_144 = tpu.memref_squeeze %dma_wait3A_143 : memref<1x64x12288xf32, #tpu.memory_space<vmem>> -> memref<64x12288xf32, #tpu.memory_space<vmem>>
    tpu.wait_dma2 semaphore(%dma_wait3A_137 : memref<!tpu.dma_semaphore, #tpu.memory_space<semaphore_mem>>) src(%dma_wait3A_144 : memref<64x12288xf32, #tpu.memory_space<vmem>>) dst(%dma_wait3A_140 : memref<64x12288xf32, #tpu.memory_space<any>>)
    %dma_wait3A_145 = arith.constant 1 : i32
    %dma_wait3A_146 = arith.constant 1 : i32
    %dma_wait3A_147 = tpu.memref_slice %arg7[%dma_wait3A_146] : memref<3x!tpu.dma_semaphore, #tpu.memory_space<semaphore_mem>> -> memref<1x!tpu.dma_semaphore, #tpu.memory_space<semaphore_mem>>
    %dma_wait3A_148 = tpu.memref_squeeze %dma_wait3A_147 : memref<1x!tpu.dma_semaphore, #tpu.memory_space<semaphore_mem>> -> memref<!tpu.dma_semaphore, #tpu.memory_space<semaphore_mem>>
    %dma_wait3A_149 = arith.constant 4032 : i32
    %dma_wait3A_150 = arith.constant 0 : i32
    %dma_wait3A_151 = tpu.memref_slice %arg3[%dma_wait3A_149, %dma_wait3A_150] : memref<4096x12288xf32, #tpu.memory_space<any>> -> memref<64x12288xf32, #tpu.memory_space<any>>
    %dma_wait3A_152 = arith.constant 64 : i32
    %dma_wait3A_153 = arith.constant 0 : i32
    %dma_wait3A_154 = tpu.memref_slice %arg5[%dma_wait3A_145, %dma_wait3A_152, %dma_wait3A_153] : memref<3x128x12288xf32, #tpu.memory_space<vmem>> -> memref<1x64x12288xf32, #tpu.memory_space<vmem>>
    %dma_wait3A_155 = tpu.memref_squeeze %dma_wait3A_154 : memref<1x64x12288xf32, #tpu.memory_space<vmem>> -> memref<64x12288xf32, #tpu.memory_space<vmem>>
    tpu.wait_dma2 semaphore(%dma_wait3A_148 : memref<!tpu.dma_semaphore, #tpu.memory_space<semaphore_mem>>) src(%dma_wait3A_155 : memref<64x12288xf32, #tpu.memory_space<vmem>>) dst(%dma_wait3A_151 : memref<64x12288xf32, #tpu.memory_space<any>>)
    return
  }
}

</mosaic_0001>

<sc_bundles>
// kernel: kernel.4.cloned.1.call-start
scs
__scs_entry_jumppad:
0x0: {  	(pc) =	sbr.rel $0x88, $3  }
0x1: {  	(tag) =	ssettag $0x0;
	lr =	simm.s32 $0x1  }
0x2: {  	[smem:$0x3F9D] =	sst lr;
	_ =	strace $0xD0000000  }
0x3: {  	_ = 	snop  }
0x4: {  	_ = 	snop  }
0x5: {  	_ = 	snop  }
0x6: {  	_ = 	snop  }
0x7: {  	_ = 	snop  }
__scs_overlays_trampoline_lowered:
0x8: {  	[smem:$0x3FAC] =	sst s0  }
0x9: {  	[smem:$0x3FAD] =	sst s1  }
0xa: {  	[smem:$0x3FAE] =	sst s2  }
0xb: {  	[smem:$0x3FAF] =	sst s3  }
0xc: {  	[smem:$0x3FB0] =	sst s4  }
0xd: {  	[smem:$0x3FB1] =	sst s5  }
0xe: {  	[smem:$0x3FB2] =	sst s6  }
0xf: {  	[smem:$0x3FB3] =	sst s7  }
0x10: {  	[smem:$0x3FB4] =	sst s8  }
0x11: {  	[smem:$0x3FB5] =	sst s9;
	s0 =	simm.s32 @!p0 $0x0  }
0x12: {  	s1 =	sld [smem:$0x3F9B];
	s0 =	simm.s32 @p0 $0x1  }
0x13: {  	[smem:$0x3FB6] =	sst s0;
	s0 =	simm.s32 @!p1 $0x0  }
0x14: {  	s2 =	sld [smem:$0x3F9A];
	s0 =	simm.s32 @p1 $0x1  }
0x15: {  	[smem:$0x3FB7] =	sst s0;
	s0 =	simm.s32 @!p2 $0x0  }
0x16: {  	s3 =	sld [smem:$0x3FDB];
	s0 =	simm.s32 @p2 $0x1  }
0x17: {  	s4 =	simm.s32 $0x1BF5;
	[smem:$0x3FB9] =	sst s0  }
0x18: {  	s0 =	sld [smem:$0x3F9C];
	_ =	swait.ge [sflag:s4], $0x0  }
0x19: {  	s7 =	sld [smem:$0x3F9D]  }
0x1a: {  	s8 =	sadd.s32 $0xFFFFE003, lr  }
0x1b: {  	s9 =	sadd.s32 $0xFFFFFEF7, lr;
	s5 =	simm.s32 $0xFFFFFFFF;
	p2 =	slt.u32 s8, $0xFFFFF086  }
0x1c: {  	p1 =	slt.u32 s9, $0xF7A;
	s5 =	simm.s32 @!p2 $0x0  }
0x1d: {  	s5 =	simm.s32 @p1 $0x1;
	p0 =	seq.s32 s7, s2  }
0x1e: {  	s7 =	smul.u32 @!p0 $0xF7A, s2;
	p2 =	seq.s32 @!p0 s5, $0x0  }
0x1f: {  	s9 =	smul.u32 $0xF7A, s1;
	s8 =	simm.s32 @!p0 $0x1BF5;
	p2 =	por !p2, p0  }
0x20: {  	[sflag:s8] =	ssyncset.s32 @!p0 $0xFFFFF086;
	s6 =	sadd.s32 @!p0 s3, s7;
	s7 =	simm.s32 @!p0 $0x108  }
0x21: {  	s3 =	sadd.s32 s3, s9;
	s6 =	sadd.s32 @!p0 $0x88, s6;
	s7 =	simm.s32 @p2 $0x1082  }
0x22: {  	[simem:s7], [sflag:s8] =	dma.local @!p0 [hbm:s6], $0xF7A  }
0x23: {  	s9 =	sor.u32 $0xD0000000, s2;
	s6 =	simm.s32 $0x108;
	_ =	swait.ge @!p0 [sflag:s8], $0x0  }
0x24: {  	s3 =	sadd.s32 $0x88, s3;
	s6 =	simm.s32 @!p1 $0x1082;
	[sflag:s4] =	ssyncset.s32 $0xFFFFF086  }
0x25: {  	[simem:s6], [sflag:s4] =	dma.local [hbm:s3], $0xF7A  }
0x26: {  	[smem:$0x3F9D] =	sst s1;
	(tag) =	ssettag s2;
	_ =	strace s9  }
0x27: {  	s1 =	sld [smem:$0x3FAD]  }
0x28: {  	s2 =	sld [smem:$0x3FAE]  }
0x29: {  	s4 =	sld [smem:$0x3FB0]  }
0x2a: {  	p0 =	seq.s32 s5, $0x0;
	s5 =	sld [smem:$0x3FB1]  }
0x2b: {  	s6 =	sld [smem:$0x3FB2]  }
0x2c: {  	s7 =	sld [smem:$0x3FB3]  }
0x2d: {  	s3 =	simm.s32 $0x108;
	s8 =	sld [smem:$0x3FB4]  }
0x2e: {  	s3 =	simm.s32 @!p0 $0x1082;
	s9 =	sld [smem:$0x3FB5]  }
0x2f: {  	lr =	sadd.s32 s0, s3;
	s0 =	sld [smem:$0x3FAC]  }
0x30: {  	s3 =	sld [smem:$0x3FAF]  }
0x31: {  	[smem:$0x3FB8] =	sst s10  }
0x32: {  	s10 =	sld [smem:$0x3FB6];
	_ =	sdelay $0x3  }
0x33: {  	p0 =	seq.s32 s10, $0x1;
	s10 =	sld [smem:$0x3FB8];
	_ =	sdelay $0x3  }
0x34: {  	[smem:$0x3FB8] =	sst s10  }
0x35: {  	s10 =	sld [smem:$0x3FB7];
	_ =	sdelay $0x3  }
0x36: {  	p1 =	seq.s32 s10, $0x1;
	s10 =	sld [smem:$0x3FB8];
	_ =	sdelay $0x3  }
0x37: {  	[smem:$0x3FB8] =	sst s10  }
0x38: {  	s10 =	sld [smem:$0x3FB9]  }
0x39: {  	_ = 	snop;
	(pc) =	sbr.ind lr, $3  }
0x3a: {  	_ = 	snop  }
0x3b: {  	_ = 	snop  }
0x3c: {  	p2 =	seq.s32 s10, $0x1;
	s10 =	sld [smem:$0x3FB8]  }
0x3d: {  	_ =	shalt  }
0x3e: {  	_ =	shalt  }
0x3f: {  	_ =	shalt  }
0x40: {  	_ =	shalt  }
0x41: {  	_ =	shalt  }
0x42: {  	_ =	shalt  }
0x43: {  	_ =	shalt  }
0x44: {  	_ =	shalt  }
0x45: {  	_ =	shalt  }
0x46: {  	_ =	shalt  }
0x47: {  	_ =	shalt  }
0x48: {  	_ =	shalt  }
0x49: {  	_ =	shalt  }
0x4a: {  	_ =	shalt  }
0x4b: {  	_ =	shalt  }
0x4c: {  	_ =	shalt  }
0x4d: {  	_ =	shalt  }
0x4e: {  	_ =	shalt  }
0x4f: {  	_ =	shalt  }
0x50: {  	_ =	shalt  }
0x51: {  	_ =	shalt  }
0x52: {  	_ =	shalt  }
0x53: {  	_ =	shalt  }
0x54: {  	_ =	shalt  }
0x55: {  	_ =	shalt  }
0x56: {  	_ =	shalt  }
0x57: {  	_ =	shalt  }
0x58: {  	_ =	shalt  }
0x59: {  	_ =	shalt  }
0x5a: {  	_ =	shalt  }
0x5b: {  	_ =	shalt  }
0x5c: {  	_ =	shalt  }
0x5d: {  	_ =	shalt  }
0x5e: {  	_ =	shalt  }
0x5f: {  	_ =	shalt  }
0x60: {  	_ =	shalt  }
0x61: {  	_ =	shalt  }
0x62: {  	_ =	shalt  }
0x63: {  	_ =	shalt  }
0x64: {  	_ =	shalt  }
0x65: {  	_ =	shalt  }
0x66: {  	_ =	shalt  }
0x67: {  	_ =	shalt  }
0x68: {  	_ =	shalt  }
0x69: {  	_ =	shalt  }
0x6a: {  	_ =	shalt  }
0x6b: {  	_ =	shalt  }
0x6c: {  	_ =	shalt  }
0x6d: {  	_ =	shalt  }
0x6e: {  	_ =	shalt  }
0x6f: {  	_ =	shalt  }
0x70: {  	_ =	shalt  }
0x71: {  	_ =	shalt  }
0x72: {  	_ =	shalt  }
0x73: {  	_ =	shalt  }
0x74: {  	_ =	shalt  }
0x75: {  	_ =	shalt  }
0x76: {  	_ =	shalt  }
0x77: {  	_ =	shalt  }
0x78: {  	_ =	shalt  }
0x79: {  	_ =	shalt  }
0x7a: {  	_ =	shalt  }
0x7b: {  	_ =	shalt  }
0x7c: {  	_ =	shalt  }
0x7d: {  	_ =	shalt  }
0x7e: {  	_ =	shalt  }
0x7f: {  	_ =	shalt  }
0x80: {  	_ =	shalt  }
0x81: {  	_ =	shalt  }
0x82: {  	_ =	shalt  }
0x83: {  	_ =	shalt  }
0x84: {  	_ =	shalt  }
0x85: {  	_ =	shalt  }
0x86: {  	_ =	shalt  }
0x87: {  	_ =	shalt  }
.Lfunc_end0:
.L_simem_size_0:
called_computation_lowered:
.L_overlay_start_0:
0x88: {  	s2 =	sld [smem:$0x3FD9]  }
0x89: {  	s3 =	sld [smem:$0x3FFE];
	_ =	sdelay $0x1  }
0x8a: {  	s1 =	srdreg.scid  }
0x8b: {  	s0 =	sand.u32 $0x1, s1  }
0x8c: {  	s17 =	sshll.u32 s0, $0xA;
	s2 =	sadd.s32 s3, s2  }
0x8d: {  	s2 =	sadd.s32 s2, s17  }
0x8e: {  	[smem:$0x3FC4] =	sst s2  }
0x8f: {  	_ = 	snop  }
0x90: {  	s2 =	sld [smem:$0x3FC9]  }
0x91: {  	s18 =	sld [smem:$0x3FD0];
	(tm) =	ssettm $0x1  }
0x92: {  	s4 =	sld [smem:$0x3FFB];
	_ =	sdelay $0x3  }
0x93: {  	_ =	strace s4  }
0x94: {  	s4 =	sld [smem:$0x3FFC];
	_ =	sdelay $0x3  }
0x95: {  	_ =	strace s4  }
0x96: {  	s4 =	sld [smem:$0x3FFD];
	_ =	sdelay $0x3  }
0x97: {  	_ =	strace s4  }
0x98: {  	_ =	strace $0x8FFFFFFF  }
0x99: {  	s19 =	sld [smem:$0x3FDB];
	_ =	sdelay $0x1  }
0x9a: {  	s5 =	simm.s32 $_scs_section_size  }
0x9b: {  	s6 =	simm.s32 $_size__tile_overlayer_lowered;
	s7 =	simm.s32 $_tile_overlayer_lowered  }
0x9c: {  	s22 =	simm.s32 $0x1BFF;
	s21 =	sshll.u32 s7, $0x1;
	s4 =	sadd.s32 s5, s19  }
0x9d: {  	s8 =	simm.s32 $0x0;
	s20 =	sshll.u32 s6, $0x1;
	s6 =	sadd.s32 s21, s4  }
0x9e: {  	[timem:s8], [sflag:s22] =	dma.local [hbm:s6], s20  }
0x9f: {  	_ =	swait.ge [sflag:s22], s20  }
0xa0: {  	s5 =	ssub.s32 $0x0, s20;
	[sflag:s22] =	ssyncset.done $0x0  }
0xa1: {  	[sflag:s22] =	ssyncadd.s32 s5;
	_ =	sdelay $0x1  }
0xa2: {  	s23 =	simm.s32 $0x1B8B  }
0xa3: {  	_ =	swait.ge [sflag:s23], $0x1  }
0xa4: {  	[sflag:s23] =	ssyncset.done $0x0  }
0xa5: {  	s25 =	simm.s32 $0x1B8E;
	s24 =	sld [smem:$0x3FFE];
	[sflag:s23] =	ssyncadd.s32 $0xFFFFFFFF  }
0xa6: {  	s26 =	simm.s32 $execute0_lowered;
	[smem:$0x3FD2] =	sst s25  }
0xa7: {  	s6 =	sshll.u32 s26, $0x1;
	_ =	strace $0x80000046;
	[dreg:$0x1] =	wrdreg $0xFFFFFFFF  }
0xa8: {  	s28 =	simm.s32 $_size_execute0_lowered;
	s4 =	sadd.s32 s4, s6;
	[dreg:$0x0] =	wrdreg $0x0  }
0xa9: {  	s6 =	sshll.u32 s28, $0x1;
	[dreg:$0x2] =	wrdreg s4  }
0xaa: {  	[dreg:$0x3] =	wrdreg s6  }
0xab: {  	[dreg:$0x4] =	wrdreg $0xC0  }
0xac: {  	_ =	task [dreg:s8], $0x5FFFF  }
0xad: {  	[dreg:$0x1] =	wrdreg $0xFFFFFFFF  }
0xae: {  	[dreg:$0x0] =	wrdreg $0x60  }
0xaf: {  	[dreg:$0x2] =	wrdreg s2  }
0xb0: {  	[dreg:$0x3] =	wrdreg s18  }
0xb1: {  	[dreg:$0x4] =	wrdreg s24  }
0xb2: {  	[dreg:$0x5] =	wrdreg $0x9  }
0xb3: {  	_ =	task.clear_ibuf [dreg:s8], $0x6FFFF;
	_ =	strace $0x90000046  }
0xb4: {  	s29 =	simm.s32 $0x9;
	_ =	strace $0x80000048  }
0xb5: {  	_ =	swait.ge [sflag:s29], $0x1  }
0xb6: {  	[sflag:s29] =	ssyncadd.s32 $0xFFFFFFFF  }
0xb7: {  	_ =	strace $0x90000048  }
0xb8: {  	_ =	sfence  }
0xb9: {  	s30 =	sld [smem:$0x0];
	_ =	sdelay $0x2  }
0xba: {  	s31 =	sshll.u32 s1, $0xD;
	s1 =	sshrl.u32 s1, $0x2  }
0xbb: {  	s3 =	sand.u32 $0x4000, s31;
	s1 =	sadd.s32 s1, s30  }
0xbc: {  	s0 =	sor.u32 s3, s0;
	s1 =	sshll.u32 s1, $0x11  }
0xbd: {  	s0 =	sor.u32 s1, s0  }
0xbe: {  	s0 =	sadd.s32 $0x8F2B, s0  }
0xbf: {  	[sflag:s0] =	ssyncadd.remote.s32 $0x1  }
0xc0: {  	_ =	sfence.sel $0xFFFF  }
0xc1: {  	[dreg:$0x0] =	wrdreg $0xFFFFFFFF;
	(pc) =	sbr.abs _section_cstart, $3  }
0xc2: {  	[dreg:$0x1] =	wrdreg $0xFFFFFFFF  }
0xc3: {  	_ =	task.clear_ibuf [dreg:s8], $0x2FFFF;
	_ =	strace $0x9FFFFFFF  }
0xc4: {  	(tm) =	ssettm $0x7FFFFFFF  }
0xc5: {  	_ =	shalt  }
tec
execute0_lowered:
.L_overlay_start_1:
0x0: {  	(tag) =	ssettag $0x1  }
0x1: {  	s5 =	rddreg [dreg:$0x0]  }
0x2: {  	s3 =	rddreg [dreg:$0x1]  }
0x3: {  	s4 =	rddreg [dreg:$0x2];
	s2 =	srdreg.scid  }
0x4: {  	s0 =	rddreg [dreg:$0x3];
	s1 =	stileid.u32;
	s11 =	sand.u32 $0x1, s2  }
0x5: {  	s2 =	simm.s32 $0x0;
	s6 =	sshll.u32 s1, $0x5;
	s7 =	sshll.u32 s11, $0x4  }
0x6: {  	[smem:$0x7FF] =	sst s2;
	s12 =	sor.u32 s7, s6  }
0x7: {  	_ =	strace $0x80000047;
	s6 =	sadd.s32 s5, s12;
	s5 =	simm.s32 $0x3  }
0x8: {  	[tilespmem:s2], [sflag:$0x3] =	stream.linear.gather [hbm4b:s6+s2], $0x80, $0x38;
	[tilespmem:$0x180] =	vst v63  }
0x9: {  	_ =	swait.ge [sflag:s5], $0x80  }
0xa: {  	[sflag:s5] =	ssyncset.done $0x0  }
0xb: {  	s8 =	simm.s32 $0x80;
	[sflag:s5] =	ssyncadd.s32 $0xFFFFFF80  }
0xc: {  	[tilespmem:s8], [sflag:$0x1] =	stream.indirect.gather [hbm4b:s3+s8], $0x1, s2, s8, $0xb8;
	[tilespmem:$0x180] =	vst v63  }
0xd: {  	s9 =	simm.s32 $0x1;
	s7 =	simm.s32 $0x100  }
0xe: {  	[tilespmem:s7], [sflag:$0x2] =	stream.indirect.gather [hbm4b:s4+s8], $0x1, s2, s8, $0xb8;
	[tilespmem:$0x180] =	vst v63  }
0xf: {  	_ =	swait.ge [sflag:s9], $0x80  }
0x10: {  	[sflag:s9] =	ssyncset.done $0x0  }
0x11: {  	s10 =	simm.s32 $0x2;
	[sflag:s9] =	ssyncadd.s32 $0xFFFFFF80  }
0x12: {  	_ =	swait.ge [sflag:s10], $0x80  }
0x13: {  	[sflag:s10] =	ssyncset.done $0x0  }
0x14: {  	[sflag:s10] =	ssyncadd.s32 $0xFFFFFF80  }
0x15: {  	v0 =	vld [tilespmem:$0xA0]  }
0x16: {  	v1 =	vld [tilespmem:$0xC0]  }
0x17: {  	v2 =	vld [tilespmem:$0xB0]  }
0x18: {  	v3 =	vld [tilespmem:$0xD0]  }
0x19: {  	v4 =	vld [tilespmem:$0x90]  }
0x1a: {  	v5 =	vld [tilespmem:$0xE0];
	v0 =	vmul.f32 $1.442695020e+00, v0  }
0x1b: {  	v6 =	vld [tilespmem:$0x80];
	v1 =	vmul.f32 $1.442695020e+00, v1  }
0x1c: {  	v7 =	vld [tilespmem:$0xF0];
	v2 =	vmul.f32 $1.442695020e+00, v2;
	(erf) = vpow2.f32 v0  }
0x1d: {  	v0 =	vmul.f32 $1.442695020e+00, v3;
	(erf) = vpow2.f32 v1  }
0x1e: {  	v1 =	vmul.f32 $1.442695020e+00, v4;
	(erf) = vpow2.f32 v2  }
0x1f: {  	v2 =	vmul.f32 $1.442695020e+00, v5;
	(erf) = vpow2.f32 v0  }
0x20: {  	v0 =	vmul.f32 $1.442695020e+00, v6;
	(erf) = vpow2.f32 v1  }
0x21: {  	v1 =	vmul.f32 $1.442695020e+00, v7;
	(erf) = vpow2.f32 v2  }
0x22: {  	(erf) = vpow2.f32 v0  }
0x23: {  	s11 =	ssub.s32 $0x2, s11;
	(erf) = vpow2.f32 v1  }
0x24: {  	s13 =	sshrl.u32 s11, $0x1  }
0x25: {  	s11 =	ssub.s32 s11, s13;
	v0 =	vpop (erf)  }
0x26: {  	s13 =	smax.u32 s11, $0x1;
	[tilespmem:$0xA0] =	vst v0;
	v0 =	vpop (erf)  }
0x27: {  	p0 =	sne.s32 s13, $0x1;
	[tilespmem:$0xC0] =	vst v0;
	v0 =	vpop (erf)  }
.Ltmp0:
0x28: {  	[tilespmem:$0xB0] =	vst v0;
	v0 =	vpop (erf);
	(pc) =	sbr.rel @!p0 .LBB2_2-.Ltmp0, $4  }
0x29: {  	[tilespmem:$0xD0] =	vst v0;
	v0 =	vpop (erf)  }
0x2a: {  	[tilespmem:$0x90] =	vst v0;
	v0 =	vpop (erf)  }
0x2b: {  	s31 =	sadd.s32 s12, s4;
	[tilespmem:$0xE0] =	vst v0;
	v0 =	vpop (erf)  }
0x2c: {  	s12 =	sadd.s32 $0x3200, s31;
	s11 =	sadd.s32 $0x3400, s31;
	s13 =	sadd.s32 $0xFFFFFFFF, s13;
	[tilespmem:$0x80] =	vst v0;
	v0 =	vpop (erf)  }
.LBB2_1:
0x2d: {  	p0 =	sne.s32 s13, $0x1;
	s13 =	sadd.s32 $0xFFFFFFFF, s13;
	[tilespmem:$0xF0] =	vst v0  }
0x2e: {  	[hbm4b:s12+s2] =	stream.linear.scatter [tilespmem:s8], [sflag:$0x3], $0x80, $0x38;
	[tilespmem:$0x180] =	vst v63  }
0x2f: {  	_ =	swait.ge [sflag:s5], $0x80  }
0x30: {  	[sflag:s5] =	ssyncset.done $0x0  }
0x31: {  	[sflag:s5] =	ssyncadd.s32 $0xFFFFFF80  }
0x32: {  	[hbm4b:s11+s2] =	stream.linear.scatter [tilespmem:s7], [sflag:$0x3], $0x80, $0x38;
	[tilespmem:$0x180] =	vst v63  }
0x33: {  	_ =	swait.ge [sflag:s5], $0x80  }
0x34: {  	[sflag:s5] =	ssyncset.done $0x0  }
0x35: {  	[sflag:s5] =	ssyncadd.s32 $0xFFFFFF80  }
0x36: {  	[tilespmem:s2], [sflag:$0x3] =	stream.linear.gather [hbm4b:s6+s2], $0x80, $0x38;
	[tilespmem:$0x180] =	vst v63  }
0x37: {  	_ =	swait.ge [sflag:s5], $0x80  }
0x38: {  	[sflag:s5] =	ssyncset.done $0x0  }
0x39: {  	[sflag:s5] =	ssyncadd.s32 $0xFFFFFF80  }
0x3a: {  	[tilespmem:s8], [sflag:$0x1] =	stream.indirect.gather [hbm4b:s3+s8], $0x1, s2, s8, $0xb8;
	[tilespmem:$0x180] =	vst v63  }
0x3b: {  	_ = 	snop  }
0x3c: {  	[tilespmem:s7], [sflag:$0x2] =	stream.indirect.gather [hbm4b:s4+s8], $0x1, s2, s8, $0xb8;
	[tilespmem:$0x180] =	vst v63  }
0x3d: {  	_ =	swait.ge [sflag:s9], $0x80  }
0x3e: {  	[sflag:s9] =	ssyncset.done $0x0  }
0x3f: {  	[sflag:s9] =	ssyncadd.s32 $0xFFFFFF80  }
0x40: {  	_ =	swait.ge [sflag:s10], $0x80  }
0x41: {  	[sflag:s10] =	ssyncset.done $0x0  }
0x42: {  	[sflag:s10] =	ssyncadd.s32 $0xFFFFFF80  }
0x43: {  	v0 =	vld [tilespmem:$0xA0]  }
0x44: {  	v1 =	vld [tilespmem:$0xC0]  }
0x45: {  	v2 =	vld [tilespmem:$0xB0]  }
0x46: {  	v3 =	vld [tilespmem:$0xD0]  }
0x47: {  	v4 =	vld [tilespmem:$0x90]  }
0x48: {  	v0 =	vmul.f32 $1.442695020e+00, v0;
	v5 =	vld [tilespmem:$0xE0]  }
0x49: {  	v6 =	vld [tilespmem:$0x80];
	v1 =	vmul.f32 $1.442695020e+00, v1  }
0x4a: {  	v2 =	vmul.f32 $1.442695020e+00, v2;
	v7 =	vld [tilespmem:$0xF0];
	(erf) = vpow2.f32 v0  }
0x4b: {  	v0 =	vmul.f32 $1.442695020e+00, v3;
	(erf) = vpow2.f32 v1  }
0x4c: {  	v1 =	vmul.f32 $1.442695020e+00, v4;
	(erf) = vpow2.f32 v2  }
0x4d: {  	v2 =	vmul.f32 $1.442695020e+00, v5;
	(erf) = vpow2.f32 v0  }
0x4e: {  	v0 =	vmul.f32 $1.442695020e+00, v6;
	(erf) = vpow2.f32 v1  }
0x4f: {  	v1 =	vmul.f32 $1.442695020e+00, v7;
	(erf) = vpow2.f32 v2  }
0x50: {  	(erf) = vpow2.f32 v0  }
0x51: {  	(erf) = vpow2.f32 v1;
	_ =	sdelay $0x1  }
0x52: {  	v0 =	vpop (erf)  }
0x53: {  	[tilespmem:$0xA0] =	vst v0;
	v0 =	vpop (erf)  }
0x54: {  	[tilespmem:$0xC0] =	vst v0;
	v0 =	vpop (erf)  }
.Ltmp1:
0x55: {  	[tilespmem:$0xB0] =	vst v0;
	v0 =	vpop (erf);
	(pc) =	sbr.rel @p0 .LBB2_1-.Ltmp1, $4  }
0x56: {  	[tilespmem:$0xD0] =	vst v0;
	v0 =	vpop (erf)  }
0x57: {  	[tilespmem:$0x90] =	vst v0;
	v0 =	vpop (erf)  }
0x58: {  	[tilespmem:$0xE0] =	vst v0;
	v0 =	vpop (erf)  }
0x59: {  	[tilespmem:$0x80] =	vst v0;
	v0 =	vpop (erf)  }
.LBB2_2:
0x5a: {  	[tilespmem:$0xF0] =	vst v0  }
0x5b: {  	[hbm4b:s12+s2] =	stream.linear.scatter [tilespmem:s8], [sflag:$0x3], $0x80, $0x38;
	[tilespmem:$0x180] =	vst v63  }
0x5c: {  	_ =	swait.ge [sflag:s5], $0x80  }
0x5d: {  	[sflag:s5] =	ssyncset.done $0x0  }
0x5e: {  	[sflag:s5] =	ssyncadd.s32 $0xFFFFFF80  }
0x5f: {  	[hbm4b:s11+s2] =	stream.linear.scatter [tilespmem:s7], [sflag:$0x3], $0x80, $0x38;
	[tilespmem:$0x180] =	vst v63  }
0x60: {  	_ =	swait.ge [sflag:s5], $0x80  }
0x61: {  	[sflag:s5] =	ssyncset.done $0x0  }
0x62: {  	[sflag:s5] =	ssyncadd.s32 $0xFFFFFF80  }
0x63: {  	_ =	sfence.sel $0x180000  }
0x64: {  	[bflag:$0x0] =	sbarrier.arrive $0xFFFF  }
0x65: {  	p0 =	sne.s32 s1, $0x0;
	_ =	strace $0x90000047  }
0x66: {  	s0 =	sadd.s32 @!p0 $0x100000, s0;
	[bflag:$0x2] =	sbarrier.arrive $0xFFFF  }
0x67: {  	[sflag:s0] =	ssyncadd.tile.s32 @!p0 $0x1;
	_ =	shalt  }
.Lfunc_end2:
_tile_overlayer_lowered:
.L_overlay_start_2:
0x68: {  	(tag) =	ssettag $0x2  }
0x69: {  	s0 =	rddreg [dreg:$0x0];
	s2 =	stileid.u32  }
0x6a: {  	s1 =	rddreg [dreg:$0x1];
	p0 =	sne.s32 s2, $0x0  }
0x6b: {  	s3 =	rddreg [dreg:$0x2];
	[bflag:$0x3] =	sbarrier.arrive $0xFFFF;
	s2 =	simm.s32 @!p0 $0x1C03  }
0x6c: {  	[timem:s3], [sflag:s2] =	dma.local @!p0 [hbm:s0], s1  }
0x6d: {  	s0 =	simm.s32 @!p0 $0x3  }
0x6e: {  	_ =	swait.ge @!p0 [sflag:s0], s1  }
0x6f: {  	s1 =	ssub.s32 @!p0 $0x0, s1;
	[sflag:s0] =	ssyncset.done @!p0 $0x0  }
0x70: {  	[sflag:s0] =	ssyncadd.s32 @!p0 s1  }
0x71: {  	[bflag:$0x3] =	sbarrier.arrive $0xFFFF  }
0x72: {  	_ =	shalt  }

</sc_bundles>
